<compile_context>
chip_gen: v7x
topology: tpu7x:2x2x1
jax: 0.10.2.dev20260603
libtpu: 0.0.44.dev20260713+nightly
codegen_flags: <defaults>
</compile_context>

<pallas_src>
import functools

import jax
import jax.numpy as jnp
import numpy as np
from jax import lax
from jax.experimental import pallas as pl
from jax.experimental.pallas import tpu as pltpu
from jax.experimental.pallas import tpu_sc as plsc

_NF4 = np.array([
    -1.0, -0.6961928009986877, -0.5250730514526367, -0.39491748809814453,
    -0.28444138169288635, -0.18477343022823334, -0.09105003625154495, 0.0,
    0.07958029955625534, 0.16093020141124725, 0.24611230194568634,
    0.33791524171829224, 0.44070982933044434, 0.5626170039176941,
    0.7229568362236023, 1.0], dtype=np.float32)
_BOUND = ((_NF4[1:] + _NF4[:-1]) / 2.0).astype(np.float32)

_NBINS = 64
_HALF = _NBINS // 2


def _build_tables():
    tb = np.zeros(_NBINS, np.float32)
    lo = np.zeros(_NBINS, np.float32)
    hi = np.zeros(_NBINS, np.float32)
    for b in range(_NBINS):
        e0, e1 = -1.0 + b / _HALF, -1.0 + (b + 1) / _HALF
        inside = [j for j, bd in enumerate(_BOUND) if e0 < float(bd) < e1]
        assert len(inside) <= 1
        if inside:
            j = inside[0]
            tb[b] = _BOUND[j]
            lo[b] = _NF4[j]
            hi[b] = _NF4[j + 1]
        else:
            j = int(np.searchsorted(_BOUND, (e0 + e1) / 2.0, side='left'))
            tb[b] = 0.0
            lo[b] = _NF4[j]
            hi[b] = _NF4[j]
    return tb, lo, hi


_TB_NP, _TLO_NP, _THI_NP = _build_tables()

_NC, _NS, _L = 2, 16, 16
_NW = _NC * _NS

_N = 16 * 1024 * 768
_PER_W = _N // _NW
_CHUNK = 24576
_NCHUNK = _PER_W // _CHUNK
_VREGS = _CHUNK // _L
_UNROLL = 8


@functools.cache
def _nf4_sc():
    @functools.partial(
        pl.kernel,
        out_type=jax.ShapeDtypeStruct((_N,), jnp.float32),
        mesh=plsc.VectorSubcoreMesh(core_axis_name="c", subcore_axis_name="s"),
        compiler_params=pltpu.CompilerParams(needs_layout_passes=False),
        scratch_types=[
            pltpu.VMEM((_CHUNK,), jnp.float32),
            pltpu.VMEM((_CHUNK,), jnp.float32),
            pltpu.VMEM((_CHUNK,), jnp.float32),
            pltpu.VMEM((_CHUNK,), jnp.float32),
            pltpu.VMEM((_NBINS,), jnp.float32),
            pltpu.VMEM((2 * _NBINS,), jnp.float32),
            pltpu.VMEM((_L,), jnp.float32),
            pltpu.SemaphoreType.DMA,
            pltpu.SemaphoreType.DMA,
            pltpu.SemaphoreType.DMA,
            pltpu.SemaphoreType.DMA,
        ],
    )
    def body(x_hbm, tb_hbm, vt_hbm, a_hbm, out_hbm,
             in0, in1, out0, out1, tb_v, vt_v, a_v,
             si0, si1, so0, so1):
        wid = lax.axis_index("s") * _NC + lax.axis_index("c")
        base = wid * _PER_W
        pltpu.sync_copy(tb_hbm, tb_v)
        pltpu.sync_copy(vt_hbm, vt_v)
        pltpu.sync_copy(a_hbm, a_v)
        a = a_v[...]
        off_c = jnp.full((_L,), float(_HALF), jnp.float32)
        zero_c = jnp.zeros((_L,), jnp.float32)
        top_c = jnp.full((_L,), float(_NBINS - 1), jnp.float32)
        one_i = jnp.ones((_L,), jnp.int32)
        zero_i = jnp.zeros((_L,), jnp.int32)

        def compute(inb, outb):
            @plsc.parallel_loop(0, _VREGS, unroll=_UNROLL)
            def vreg_body(i):
                v = inb[pl.ds(i * _L, _L)]
                f = v * a + off_c
                f = jnp.minimum(jnp.maximum(f, zero_c), top_c)
                idx = f.astype(jnp.int32)
                bnd = plsc.load_gather(tb_v, [idx])
                up = jnp.where(v > bnd, one_i, zero_i)
                outb[pl.ds(i * _L, _L)] = plsc.load_gather(
                    vt_v, [idx + idx + up])

        def wait_in(buf, sem):
            pltpu.make_async_copy(x_hbm.at[pl.ds(0, _CHUNK)], buf, sem).wait()

        def wait_out(buf, sem):
            pltpu.make_async_copy(buf, out_hbm.at[pl.ds(0, _CHUNK)], sem).wait()

        pltpu.async_copy(x_hbm.at[pl.ds(base, _CHUNK)], in0, si0)

        def pair_body(p, carry):
            c0 = base + 2 * p * _CHUNK
            c1 = c0 + _CHUNK
            pltpu.async_copy(x_hbm.at[pl.ds(c1, _CHUNK)], in1, si1)
            wait_in(in0, si0)

            @pl.when(p > 0)
            def _():
                wait_out(out0, so0)

            compute(in0, out0)
            pltpu.async_copy(out0, out_hbm.at[pl.ds(c0, _CHUNK)], so0)

            @pl.when(p < _NCHUNK // 2 - 1)
            def _():
                pltpu.async_copy(
                    x_hbm.at[pl.ds(c1 + _CHUNK, _CHUNK)], in0, si0)

            wait_in(in1, si1)

            @pl.when(p > 0)
            def _():
                wait_out(out1, so1)

            compute(in1, out1)
            pltpu.async_copy(out1, out_hbm.at[pl.ds(c1, _CHUNK)], so1)
            return carry

        lax.fori_loop(0, _NCHUNK // 2, pair_body, 0)
        wait_out(out0, so0)
        wait_out(out1, so1)

    return body


def kernel(x, scale):
    s = jnp.clip(scale.astype(jnp.float32), 1e-8, None)
    _TB, _TLO, _THI = (jnp.asarray(t) for t in (_TB_NP, _TLO_NP, _THI_NP))
    thr = _TB * s
    neg_inf = jnp.float32(-jnp.inf)
    pos_inf = jnp.float32(jnp.inf)
    for _ in range(3):
        thr = jnp.where(thr / s > _TB, jnp.nextafter(thr, neg_inf), thr)
    for _ in range(3):
        up = jnp.nextafter(thr, pos_inf)
        thr = jnp.where(up / s <= _TB, up, thr)
    vt = (jnp.stack([_TLO, _THI], axis=1) * s).reshape(-1)
    a_vec = jnp.broadcast_to(jnp.float32(_HALF) / s, (_L,))
    y = _nf4_sc()(x.reshape(-1), thr, vt, a_vec)
    return y.reshape(x.shape)

# --- scband reference (transcript-rebuilt; emitter-appended) ---
"""Pipeline reference for scband-normal-float-quantizer-13537736917200 (READ-ONLY COPY).

The authoritative reference and input builder live on the scoring server;
editing this copy changes nothing except your own understanding.
"""

import jax, jax.numpy as jnp
import numpy as np

NF4_CODEBOOK = jnp.array([-1.0, -0.6961928009986877, -0.5250730514526367, -0.39491748809814453, -0.28444138169288635, -0.18477343022823334, -0.09105003625154495, 0.0, 0.07958029955625534, 0.16093020141124725, 0.24611230194568634, 0.33791524171829224, 0.44070982933044434, 0.5626170039176941, 0.7229568362236023, 1.0], dtype=jnp.float32)


def setup_inputs(seed: int = 0) -> dict:
    key = jax.random.key(seed)
    k1, k2 = jax.random.split(key)
    x = jax.random.normal(k1, (16, 1024, 768), dtype=jnp.float32)
    # 'scale' buffer registered in __init__ with shape=(1,); use a nonzero value so the
    # quantize path exercises a meaningful dynamic range (zeros would clamp to 1e-8).
    scale = jax.random.uniform(k2, (1,), dtype=jnp.float32, minval=0.5, maxval=2.0)
    return {"x": x, "scale": scale}


def reference(x, scale):
    # Faithful port of NormalFloatQuantizer.quantize(x, return_codes=False) with bits=4.
    codebook = NF4_CODEBOOK
    boundaries = (codebook[1:] + codebook[:-1]) / 2.0  # _midpoints
    s = jnp.clip(scale.astype(jnp.float32), 1e-8, None)
    normalized = x.astype(jnp.float32) / s
    clipped = jnp.clip(normalized, codebook[0], codebook[-1])
    # torch.bucketize(input, boundaries, right=False) == searchsorted side='left'
    codes = jnp.searchsorted(boundaries, clipped, side='left')
    values = jnp.take(codebook, codes, axis=0)
    dequant = values * s
    return dequant.astype(x.dtype)

if __name__ == "__main__":
    import jax
    _d = setup_inputs()
    print(jax.jit(kernel)(*tuple(_d.values())))

</pallas_src>

<mosaic_0001>
#map = affine_map<(d0, d1) -> (0)>
module attributes {stable_mosaic.version = 14 : i64} {
  func.func @body(%arg0: i32, %arg1: i32, %arg2: memref<12582912xf32, #tpu.memory_space<hbm>>, %arg3: memref<64xf32, #tpu.memory_space<hbm>>, %arg4: memref<128xf32, #tpu.memory_space<hbm>>, %arg5: memref<16xf32, #tpu.memory_space<hbm>>, %arg6: memref<12582912xf32, #tpu.memory_space<hbm>>, %arg7: memref<24576xf32, #tpu.memory_space<vmem>>, %arg8: memref<24576xf32, #tpu.memory_space<vmem>>, %arg9: memref<24576xf32, #tpu.memory_space<vmem>>, %arg10: memref<24576xf32, #tpu.memory_space<vmem>>, %arg11: memref<64xf32, #tpu.memory_space<vmem>>, %arg12: memref<128xf32, #tpu.memory_space<vmem>>, %arg13: memref<16xf32, #tpu.memory_space<vmem>>, %arg14: memref<!tpu.dma_semaphore, #tpu.memory_space<semaphore_mem>>, %arg15: memref<!tpu.dma_semaphore, #tpu.memory_space<semaphore_mem>>, %arg16: memref<!tpu.dma_semaphore, #tpu.memory_space<semaphore_mem>>, %arg17: memref<!tpu.dma_semaphore, #tpu.memory_space<semaphore_mem>>) attributes {dimension_semantics = [#tpu.dimension_semantics<core_parallel>, #tpu.dimension_semantics<subcore_parallel>], iteration_bounds = array<i64: 2, 16>, scalar_prefetch = 0 : i64, scratch_operands = 11 : i64, tpu.core_type = #tpu.core_type<sc_vector_subcore>, window_params = [{transform_indices = #map}, {transform_indices = #map}, {transform_indices = #map}, {transform_indices = #map}, {transform_indices = #map}]} {
    %mul3A = arith.constant 2 : i32
    %mul3A_0 = arith.muli %arg1, %mul3A : i32
    %add3A = arith.addi %mul3A_0, %arg0 : i32
    %mul3A_1 = arith.constant 393216 : i32
    %mul3A_2 = arith.muli %add3A, %mul3A_1 : i32
    "tpu.region"() ({
      %run_scoped3A = tpu.sem_alloc : memref<!tpu.dma_semaphore, #tpu.memory_space<semaphore_mem>>
      tpu.enqueue_dma source(%arg3 : memref<64xf32, #tpu.memory_space<hbm>>) target(%arg11 : memref<64xf32, #tpu.memory_space<vmem>>) target_semaphore(%run_scoped3A : memref<!tpu.dma_semaphore, #tpu.memory_space<semaphore_mem>>)
      tpu.wait_dma2 semaphore(%run_scoped3A : memref<!tpu.dma_semaphore, #tpu.memory_space<semaphore_mem>>) src(%arg3 : memref<64xf32, #tpu.memory_space<hbm>>) dst(%arg11 : memref<64xf32, #tpu.memory_space<vmem>>)
      tpu.yield
    }) : () -> ()
    "tpu.region"() ({
      %run_scoped3A = tpu.sem_alloc : memref<!tpu.dma_semaphore, #tpu.memory_space<semaphore_mem>>
      tpu.enqueue_dma source(%arg4 : memref<128xf32, #tpu.memory_space<hbm>>) target(%arg12 : memref<128xf32, #tpu.memory_space<vmem>>) target_semaphore(%run_scoped3A : memref<!tpu.dma_semaphore, #tpu.memory_space<semaphore_mem>>)
      tpu.wait_dma2 semaphore(%run_scoped3A : memref<!tpu.dma_semaphore, #tpu.memory_space<semaphore_mem>>) src(%arg4 : memref<128xf32, #tpu.memory_space<hbm>>) dst(%arg12 : memref<128xf32, #tpu.memory_space<vmem>>)
      tpu.yield
    }) : () -> ()
    "tpu.region"() ({
      %run_scoped3A = tpu.sem_alloc : memref<!tpu.dma_semaphore, #tpu.memory_space<semaphore_mem>>
      tpu.enqueue_dma source(%arg5 : memref<16xf32, #tpu.memory_space<hbm>>) target(%arg13 : memref<16xf32, #tpu.memory_space<vmem>>) target_semaphore(%run_scoped3A : memref<!tpu.dma_semaphore, #tpu.memory_space<semaphore_mem>>)
      tpu.wait_dma2 semaphore(%run_scoped3A : memref<!tpu.dma_semaphore, #tpu.memory_space<semaphore_mem>>) src(%arg5 : memref<16xf32, #tpu.memory_space<hbm>>) dst(%arg13 : memref<16xf32, #tpu.memory_space<vmem>>)
      tpu.yield
    }) : () -> ()
    %get3A = arith.constant 0 : index
    %get3A_3 = tpu.vector_load %arg13[%get3A] {strides = array<i32>} : memref<16xf32, #tpu.memory_space<vmem>>, vector<16xf32>,
    %broadcast_in_dim3A = arith.constant 3.200000e+01 : f32
    %broadcast_in_dim3A_4 = vector.broadcast %broadcast_in_dim3A : f32 to vector<16xf32>
    %broadcast_in_dim3A_5 = arith.constant 0.000000e+00 : f32
    %broadcast_in_dim3A_6 = vector.broadcast %broadcast_in_dim3A_5 : f32 to vector<16xf32>
    %broadcast_in_dim3A_7 = arith.constant 6.300000e+01 : f32
    %broadcast_in_dim3A_8 = vector.broadcast %broadcast_in_dim3A_7 : f32 to vector<16xf32>
    %broadcast_in_dim3A_9 = arith.constant 1 : i32
    %broadcast_in_dim3A_10 = vector.broadcast %broadcast_in_dim3A_9 : i32 to vector<16xi32>
    %broadcast_in_dim3A_11 = arith.constant 0 : i32
    %broadcast_in_dim3A_12 = vector.broadcast %broadcast_in_dim3A_11 : i32 to vector<16xi32>
    %dma_start3A = tpu.memref_slice %arg2[%mul3A_2] : memref<12582912xf32, #tpu.memory_space<hbm>> -> memref<24576xf32, #tpu.memory_space<hbm>>
    %dma_start3A_13 = tpu.memref_slice %arg2[%mul3A_2] : memref<12582912xf32, #tpu.memory_space<hbm>> -> memref<24576xf32, #tpu.memory_space<hbm>>
    tpu.enqueue_dma source(%dma_start3A_13 : memref<24576xf32, #tpu.memory_space<hbm>>) target(%arg7 : memref<24576xf32, #tpu.memory_space<vmem>>) target_semaphore(%arg14 : memref<!tpu.dma_semaphore, #tpu.memory_space<semaphore_mem>>)
    %scan3A = arith.constant 0 : i32
    %scan3A_14 = arith.constant 0 : i32
    %scan3A_15 = arith.constant 8 : i32
    %scan3A_16 = arith.addi %scan3A_14, %scan3A_15 : i32
    %scan3A_17 = arith.constant 1 : i32
    scf.for %scan3A_26 = %scan3A_14 to %scan3A_16 step %scan3A_17  : i32 {
      %mul3A_27 = arith.constant 2 : i32
      %mul3A_28 = arith.muli %mul3A_27, %scan3A_26 : i32
      %mul3A_29 = arith.constant 24576 : i32
      %mul3A_30 = arith.muli %mul3A_28, %mul3A_29 : i32
      %add3A_31 = arith.addi %mul3A_2, %mul3A_30 : i32
      %add3A_32 = arith.constant 24576 : i32
      %add3A_33 = arith.addi %add3A_31, %add3A_32 : i32
      %dma_start3A_34 = tpu.memref_slice %arg2[%add3A_33] : memref<12582912xf32, #tpu.memory_space<hbm>> -> memref<24576xf32, #tpu.memory_space<hbm>>
      %dma_start3A_35 = tpu.memref_slice %arg2[%add3A_33] : memref<12582912xf32, #tpu.memory_space<hbm>> -> memref<24576xf32, #tpu.memory_space<hbm>>
      tpu.enqueue_dma source(%dma_start3A_35 : memref<24576xf32, #tpu.memory_space<hbm>>) target(%arg8 : memref<24576xf32, #tpu.memory_space<vmem>>) target_semaphore(%arg15 : memref<!tpu.dma_semaphore, #tpu.memory_space<semaphore_mem>>)
      %dma_wait3A_36 = arith.constant 0 : i32
      %dma_wait3A_37 = tpu.memref_slice %arg2[%dma_wait3A_36] : memref<12582912xf32, #tpu.memory_space<hbm>> -> memref<24576xf32, #tpu.memory_space<hbm>>
      %dma_wait3A_38 = arith.constant 0 : i32
      %dma_wait3A_39 = tpu.memref_slice %arg2[%dma_wait3A_38] : memref<12582912xf32, #tpu.memory_space<hbm>> -> memref<24576xf32, #tpu.memory_space<hbm>>
      tpu.wait_dma2 semaphore(%arg14 : memref<!tpu.dma_semaphore, #tpu.memory_space<semaphore_mem>>) src(%dma_wait3A_39 : memref<24576xf32, #tpu.memory_space<hbm>>) dst(%arg7 : memref<24576xf32, #tpu.memory_space<vmem>>)
      %gt3A = arith.constant 0 : i32
      %gt3A_40 = arith.cmpi sgt, %scan3A_26, %gt3A : i32
      %convert_element_type3A = arith.extui %gt3A_40 : i1 to i32
      %cond3A = arith.constant 0 : i32
      %cond3A_41 = arith.cmpi ne, %convert_element_type3A, %cond3A : i32
      scf.if %cond3A_41 {
        %dma_wait3A_64 = arith.constant 0 : i32
        %dma_wait3A_65 = tpu.memref_slice %arg6[%dma_wait3A_64] : memref<12582912xf32, #tpu.memory_space<hbm>> -> memref<24576xf32, #tpu.memory_space<hbm>>
        %dma_wait3A_66 = arith.constant 0 : i32
        %dma_wait3A_67 = tpu.memref_slice %arg6[%dma_wait3A_66] : memref<12582912xf32, #tpu.memory_space<hbm>> -> memref<24576xf32, #tpu.memory_space<hbm>>
        tpu.wait_dma2 semaphore(%arg16 : memref<!tpu.dma_semaphore, #tpu.memory_space<semaphore_mem>>) src(%arg9 : memref<24576xf32, #tpu.memory_space<vmem>>) dst(%dma_wait3A_67 : memref<24576xf32, #tpu.memory_space<hbm>>)
      } else {
      }
      %parallel_loop3A = arith.constant 0 : i32
      %parallel_loop3A_42 = arith.constant 1536 : i32
      %parallel_loop3A_43 = arith.constant 1 : i32
      scf.for %parallel_loop3A_64 = %parallel_loop3A to %parallel_loop3A_42 step %parallel_loop3A_43  : i32 {
        %parallel_loop3A_65 = arith.constant 16 : i32
        %parallel_loop3A_66 = arith.muli %parallel_loop3A_64, %parallel_loop3A_65 : i32
        %parallel_loop3A_67 = arith.index_cast %parallel_loop3A_66 : i32 to index
        %parallel_loop3A_68 = tpu.vector_load %arg7[%parallel_loop3A_67] {strides = array<i32>} : memref<24576xf32, #tpu.memory_space<vmem>>, vector<16xf32>,
        %parallel_loop3A_69 = arith.mulf %parallel_loop3A_68, %get3A_3 : vector<16xf32>
        %parallel_loop3A_70 = arith.addf %parallel_loop3A_69, %broadcast_in_dim3A_4 : vector<16xf32>
        %parallel_loop3A_71 = arith.maximumf %parallel_loop3A_70, %broadcast_in_dim3A_6 : vector<16xf32>
        %parallel_loop3A_72 = arith.minimumf %parallel_loop3A_71, %broadcast_in_dim3A_8 : vector<16xf32>
        %parallel_loop3A_73 = arith.fptosi %parallel_loop3A_72 : vector<16xf32> to vector<16xi32>
        %parallel_loop3A_74 = tpu.vector_load_idx %arg11[%parallel_loop3A_73] : memref<64xf32, #tpu.memory_space<vmem>>[vector<16xi32>], vector<16xf32>,
        %parallel_loop3A_75 = arith.cmpf ogt, %parallel_loop3A_68, %parallel_loop3A_74 : vector<16xf32>
        %parallel_loop3A_76 = arith.select %parallel_loop3A_75, %broadcast_in_dim3A_10, %broadcast_in_dim3A_12 : vector<16xi1>, vector<16xi32>
        %parallel_loop3A_77 = arith.addi %parallel_loop3A_73, %parallel_loop3A_73 : vector<16xi32>
        %parallel_loop3A_78 = arith.addi %parallel_loop3A_77, %parallel_loop3A_76 : vector<16xi32>
        %parallel_loop3A_79 = tpu.vector_load_idx %arg12[%parallel_loop3A_78] : memref<128xf32, #tpu.memory_space<vmem>>[vector<16xi32>], vector<16xf32>,
        %parallel_loop3A_80 = arith.constant 16 : i32
        %parallel_loop3A_81 = arith.muli %parallel_loop3A_64, %parallel_loop3A_80 : i32
        %parallel_loop3A_82 = arith.index_cast %parallel_loop3A_81 : i32 to index
        %parallel_loop3A_83 = tpu.vector_load %arg9[%parallel_loop3A_82] {strides = array<i32>} : memref<24576xf32, #tpu.memory_space<vmem>>, vector<16xf32>,
        tpu.vector_store %arg9[%parallel_loop3A_82], %parallel_loop3A_79 {strides = array<i32>} : memref<24576xf32, #tpu.memory_space<vmem>>, vector<16xf32>,
      } {sc.loop_unroll_factor = 8 : i64, sc.parallel_access}
      %dma_start3A_44 = tpu.memref_slice %arg6[%add3A_31] : memref<12582912xf32, #tpu.memory_space<hbm>> -> memref<24576xf32, #tpu.memory_space<hbm>>
      %dma_start3A_45 = tpu.memref_slice %arg6[%add3A_31] : memref<12582912xf32, #tpu.memory_space<hbm>> -> memref<24576xf32, #tpu.memory_space<hbm>>
      tpu.enqueue_dma source(%arg9 : memref<24576xf32, #tpu.memory_space<vmem>>) target(%dma_start3A_45 : memref<24576xf32, #tpu.memory_space<hbm>>) target_semaphore(%arg16 : memref<!tpu.dma_semaphore, #tpu.memory_space<semaphore_mem>>)
      %lt3A = arith.constant 7 : i32
      %lt3A_46 = arith.cmpi slt, %scan3A_26, %lt3A : i32
      %convert_element_type3A_47 = arith.extui %lt3A_46 : i1 to i32
      %cond3A_48 = arith.constant 0 : i32
      %cond3A_49 = arith.cmpi ne, %convert_element_type3A_47, %cond3A_48 : i32
      scf.if %cond3A_49 {
        %add3A_64 = arith.constant 24576 : i32
        %add3A_65 = arith.addi %add3A_33, %add3A_64 : i32
        %dma_start3A_66 = tpu.memref_slice %arg2[%add3A_65] : memref<12582912xf32, #tpu.memory_space<hbm>> -> memref<24576xf32, #tpu.memory_space<hbm>>
        %dma_start3A_67 = tpu.memref_slice %arg2[%add3A_65] : memref<12582912xf32, #tpu.memory_space<hbm>> -> memref<24576xf32, #tpu.memory_space<hbm>>
        tpu.enqueue_dma source(%dma_start3A_67 : memref<24576xf32, #tpu.memory_space<hbm>>) target(%arg7 : memref<24576xf32, #tpu.memory_space<vmem>>) target_semaphore(%arg14 : memref<!tpu.dma_semaphore, #tpu.memory_space<semaphore_mem>>)
      } else {
      }
      %dma_wait3A_50 = arith.constant 0 : i32
      %dma_wait3A_51 = tpu.memref_slice %arg2[%dma_wait3A_50] : memref<12582912xf32, #tpu.memory_space<hbm>> -> memref<24576xf32, #tpu.memory_space<hbm>>
      %dma_wait3A_52 = arith.constant 0 : i32
      %dma_wait3A_53 = tpu.memref_slice %arg2[%dma_wait3A_52] : memref<12582912xf32, #tpu.memory_space<hbm>> -> memref<24576xf32, #tpu.memory_space<hbm>>
      tpu.wait_dma2 semaphore(%arg15 : memref<!tpu.dma_semaphore, #tpu.memory_space<semaphore_mem>>) src(%dma_wait3A_53 : memref<24576xf32, #tpu.memory_space<hbm>>) dst(%arg8 : memref<24576xf32, #tpu.memory_space<vmem>>)
      %gt3A_54 = arith.constant 0 : i32
      %gt3A_55 = arith.cmpi sgt, %scan3A_26, %gt3A_54 : i32
      %convert_element_type3A_56 = arith.extui %gt3A_55 : i1 to i32
      %cond3A_57 = arith.constant 0 : i32
      %cond3A_58 = arith.cmpi ne, %convert_element_type3A_56, %cond3A_57 : i32
      scf.if %cond3A_58 {
        %dma_wait3A_64 = arith.constant 0 : i32
        %dma_wait3A_65 = tpu.memref_slice %arg6[%dma_wait3A_64] : memref<12582912xf32, #tpu.memory_space<hbm>> -> memref<24576xf32, #tpu.memory_space<hbm>>
        %dma_wait3A_66 = arith.constant 0 : i32
        %dma_wait3A_67 = tpu.memref_slice %arg6[%dma_wait3A_66] : memref<12582912xf32, #tpu.memory_space<hbm>> -> memref<24576xf32, #tpu.memory_space<hbm>>
        tpu.wait_dma2 semaphore(%arg17 : memref<!tpu.dma_semaphore, #tpu.memory_space<semaphore_mem>>) src(%arg10 : memref<24576xf32, #tpu.memory_space<vmem>>) dst(%dma_wait3A_67 : memref<24576xf32, #tpu.memory_space<hbm>>)
      } else {
      }
      %parallel_loop3A_59 = arith.constant 0 : i32
      %parallel_loop3A_60 = arith.constant 1536 : i32
      %parallel_loop3A_61 = arith.constant 1 : i32
      scf.for %parallel_loop3A_64 = %parallel_loop3A_59 to %parallel_loop3A_60 step %parallel_loop3A_61  : i32 {
        %parallel_loop3A_65 = arith.constant 16 : i32
        %parallel_loop3A_66 = arith.muli %parallel_loop3A_64, %parallel_loop3A_65 : i32
        %parallel_loop3A_67 = arith.index_cast %parallel_loop3A_66 : i32 to index
        %parallel_loop3A_68 = tpu.vector_load %arg8[%parallel_loop3A_67] {strides = array<i32>} : memref<24576xf32, #tpu.memory_space<vmem>>, vector<16xf32>,
        %parallel_loop3A_69 = arith.mulf %parallel_loop3A_68, %get3A_3 : vector<16xf32>
        %parallel_loop3A_70 = arith.addf %parallel_loop3A_69, %broadcast_in_dim3A_4 : vector<16xf32>
        %parallel_loop3A_71 = arith.maximumf %parallel_loop3A_70, %broadcast_in_dim3A_6 : vector<16xf32>
        %parallel_loop3A_72 = arith.minimumf %parallel_loop3A_71, %broadcast_in_dim3A_8 : vector<16xf32>
        %parallel_loop3A_73 = arith.fptosi %parallel_loop3A_72 : vector<16xf32> to vector<16xi32>
        %parallel_loop3A_74 = tpu.vector_load_idx %arg11[%parallel_loop3A_73] : memref<64xf32, #tpu.memory_space<vmem>>[vector<16xi32>], vector<16xf32>,
        %parallel_loop3A_75 = arith.cmpf ogt, %parallel_loop3A_68, %parallel_loop3A_74 : vector<16xf32>
        %parallel_loop3A_76 = arith.select %parallel_loop3A_75, %broadcast_in_dim3A_10, %broadcast_in_dim3A_12 : vector<16xi1>, vector<16xi32>
        %parallel_loop3A_77 = arith.addi %parallel_loop3A_73, %parallel_loop3A_73 : vector<16xi32>
        %parallel_loop3A_78 = arith.addi %parallel_loop3A_77, %parallel_loop3A_76 : vector<16xi32>
        %parallel_loop3A_79 = tpu.vector_load_idx %arg12[%parallel_loop3A_78] : memref<128xf32, #tpu.memory_space<vmem>>[vector<16xi32>], vector<16xf32>,
        %parallel_loop3A_80 = arith.constant 16 : i32
        %parallel_loop3A_81 = arith.muli %parallel_loop3A_64, %parallel_loop3A_80 : i32
        %parallel_loop3A_82 = arith.index_cast %parallel_loop3A_81 : i32 to index
        %parallel_loop3A_83 = tpu.vector_load %arg10[%parallel_loop3A_82] {strides = array<i32>} : memref<24576xf32, #tpu.memory_space<vmem>>, vector<16xf32>,
        tpu.vector_store %arg10[%parallel_loop3A_82], %parallel_loop3A_79 {strides = array<i32>} : memref<24576xf32, #tpu.memory_space<vmem>>, vector<16xf32>,
      } {sc.loop_unroll_factor = 8 : i64, sc.parallel_access}
      %dma_start3A_62 = tpu.memref_slice %arg6[%add3A_33] : memref<12582912xf32, #tpu.memory_space<hbm>> -> memref<24576xf32, #tpu.memory_space<hbm>>
      %dma_start3A_63 = tpu.memref_slice %arg6[%add3A_33] : memref<12582912xf32, #tpu.memory_space<hbm>> -> memref<24576xf32, #tpu.memory_space<hbm>>
      tpu.enqueue_dma source(%arg10 : memref<24576xf32, #tpu.memory_space<vmem>>) target(%dma_start3A_63 : memref<24576xf32, #tpu.memory_space<hbm>>) target_semaphore(%arg17 : memref<!tpu.dma_semaphore, #tpu.memory_space<semaphore_mem>>)
    }
    %scan3A_18 = arith.constant 8 : i32
    %dma_wait3A = arith.constant 0 : i32
    %dma_wait3A_19 = tpu.memref_slice %arg6[%dma_wait3A] : memref<12582912xf32, #tpu.memory_space<hbm>> -> memref<24576xf32, #tpu.memory_space<hbm>>
    %dma_wait3A_20 = arith.constant 0 : i32
    %dma_wait3A_21 = tpu.memref_slice %arg6[%dma_wait3A_20] : memref<12582912xf32, #tpu.memory_space<hbm>> -> memref<24576xf32, #tpu.memory_space<hbm>>
    tpu.wait_dma2 semaphore(%arg16 : memref<!tpu.dma_semaphore, #tpu.memory_space<semaphore_mem>>) src(%arg9 : memref<24576xf32, #tpu.memory_space<vmem>>) dst(%dma_wait3A_21 : memref<24576xf32, #tpu.memory_space<hbm>>)
    %dma_wait3A_22 = arith.constant 0 : i32
    %dma_wait3A_23 = tpu.memref_slice %arg6[%dma_wait3A_22] : memref<12582912xf32, #tpu.memory_space<hbm>> -> memref<24576xf32, #tpu.memory_space<hbm>>
    %dma_wait3A_24 = arith.constant 0 : i32
    %dma_wait3A_25 = tpu.memref_slice %arg6[%dma_wait3A_24] : memref<12582912xf32, #tpu.memory_space<hbm>> -> memref<24576xf32, #tpu.memory_space<hbm>>
    tpu.wait_dma2 semaphore(%arg17 : memref<!tpu.dma_semaphore, #tpu.memory_space<semaphore_mem>>) src(%arg10 : memref<24576xf32, #tpu.memory_space<vmem>>) dst(%dma_wait3A_25 : memref<24576xf32, #tpu.memory_space<hbm>>)
    return
  }
}

</mosaic_0001>

<sc_bundles>
// kernel: kernel.3.cloned.1.call-start
scs
__scs_entry_jumppad:
0x0: {  	(pc) =	sbr.rel $0x88, $3  }
0x1: {  	(tag) =	ssettag $0x0;
	lr =	simm.s32 $0x1  }
0x2: {  	[smem:$0x3F9F] =	sst lr;
	_ =	strace $0xD0000000  }
0x3: {  	_ = 	snop  }
0x4: {  	_ = 	snop  }
0x5: {  	_ = 	snop  }
0x6: {  	_ = 	snop  }
0x7: {  	_ = 	snop  }
__scs_overlays_trampoline_lowered:
0x8: {  	[smem:$0x3FAE] =	sst s0  }
0x9: {  	[smem:$0x3FAF] =	sst s1  }
0xa: {  	[smem:$0x3FB0] =	sst s2  }
0xb: {  	[smem:$0x3FB1] =	sst s3  }
0xc: {  	[smem:$0x3FB2] =	sst s4  }
0xd: {  	[smem:$0x3FB3] =	sst s5  }
0xe: {  	[smem:$0x3FB4] =	sst s6  }
0xf: {  	[smem:$0x3FB5] =	sst s7  }
0x10: {  	[smem:$0x3FB6] =	sst s8  }
0x11: {  	[smem:$0x3FB7] =	sst s9;
	s0 =	simm.s32 @!p0 $0x0  }
0x12: {  	s1 =	sld [smem:$0x3F9D];
	s0 =	simm.s32 @p0 $0x1  }
0x13: {  	[smem:$0x3FB8] =	sst s0;
	s0 =	simm.s32 @!p1 $0x0  }
0x14: {  	s2 =	sld [smem:$0x3F9C];
	s0 =	simm.s32 @p1 $0x1  }
0x15: {  	[smem:$0x3FB9] =	sst s0;
	s0 =	simm.s32 @!p2 $0x0  }
0x16: {  	s3 =	sld [smem:$0x3FDB];
	s0 =	simm.s32 @p2 $0x1  }
0x17: {  	s4 =	simm.s32 $0x1BF5;
	[smem:$0x3FBB] =	sst s0  }
0x18: {  	s0 =	sld [smem:$0x3F9E];
	_ =	swait.ge [sflag:s4], $0x0  }
0x19: {  	s7 =	sld [smem:$0x3F9F]  }
0x1a: {  	s8 =	sadd.s32 $0xFFFFE003, lr  }
0x1b: {  	s9 =	sadd.s32 $0xFFFFFEF7, lr;
	s5 =	simm.s32 $0xFFFFFFFF;
	p2 =	slt.u32 s8, $0xFFFFF086  }
0x1c: {  	p1 =	slt.u32 s9, $0xF7A;
	s5 =	simm.s32 @!p2 $0x0  }
0x1d: {  	s5 =	simm.s32 @p1 $0x1;
	p0 =	seq.s32 s7, s2  }
0x1e: {  	s7 =	smul.u32 @!p0 $0xF7A, s2;
	p2 =	seq.s32 @!p0 s5, $0x0  }
0x1f: {  	s9 =	smul.u32 $0xF7A, s1;
	s8 =	simm.s32 @!p0 $0x1BF5;
	p2 =	por !p2, p0  }
0x20: {  	[sflag:s8] =	ssyncset.s32 @!p0 $0xFFFFF086;
	s6 =	sadd.s32 @!p0 s3, s7;
	s7 =	simm.s32 @!p0 $0x108  }
0x21: {  	s3 =	sadd.s32 s3, s9;
	s6 =	sadd.s32 @!p0 $0x88, s6;
	s7 =	simm.s32 @p2 $0x1082  }
0x22: {  	[simem:s7], [sflag:s8] =	dma.local @!p0 [hbm:s6], $0xF7A  }
0x23: {  	s9 =	sor.u32 $0xD0000000, s2;
	s6 =	simm.s32 $0x108;
	_ =	swait.ge @!p0 [sflag:s8], $0x0  }
0x24: {  	s3 =	sadd.s32 $0x88, s3;
	s6 =	simm.s32 @!p1 $0x1082;
	[sflag:s4] =	ssyncset.s32 $0xFFFFF086  }
0x25: {  	[simem:s6], [sflag:s4] =	dma.local [hbm:s3], $0xF7A  }
0x26: {  	[smem:$0x3F9F] =	sst s1;
	(tag) =	ssettag s2;
	_ =	strace s9  }
0x27: {  	s1 =	sld [smem:$0x3FAF]  }
0x28: {  	s2 =	sld [smem:$0x3FB0]  }
0x29: {  	s4 =	sld [smem:$0x3FB2]  }
0x2a: {  	p0 =	seq.s32 s5, $0x0;
	s5 =	sld [smem:$0x3FB3]  }
0x2b: {  	s6 =	sld [smem:$0x3FB4]  }
0x2c: {  	s7 =	sld [smem:$0x3FB5]  }
0x2d: {  	s3 =	simm.s32 $0x108;
	s8 =	sld [smem:$0x3FB6]  }
0x2e: {  	s3 =	simm.s32 @!p0 $0x1082;
	s9 =	sld [smem:$0x3FB7]  }
0x2f: {  	lr =	sadd.s32 s0, s3;
	s0 =	sld [smem:$0x3FAE]  }
0x30: {  	s3 =	sld [smem:$0x3FB1]  }
0x31: {  	[smem:$0x3FBA] =	sst s10  }
0x32: {  	s10 =	sld [smem:$0x3FB8];
	_ =	sdelay $0x3  }
0x33: {  	p0 =	seq.s32 s10, $0x1;
	s10 =	sld [smem:$0x3FBA];
	_ =	sdelay $0x3  }
0x34: {  	[smem:$0x3FBA] =	sst s10  }
0x35: {  	s10 =	sld [smem:$0x3FB9];
	_ =	sdelay $0x3  }
0x36: {  	p1 =	seq.s32 s10, $0x1;
	s10 =	sld [smem:$0x3FBA];
	_ =	sdelay $0x3  }
0x37: {  	[smem:$0x3FBA] =	sst s10  }
0x38: {  	s10 =	sld [smem:$0x3FBB]  }
0x39: {  	_ = 	snop;
	(pc) =	sbr.ind lr, $3  }
0x3a: {  	_ = 	snop  }
0x3b: {  	_ = 	snop  }
0x3c: {  	p2 =	seq.s32 s10, $0x1;
	s10 =	sld [smem:$0x3FBA]  }
0x3d: {  	_ =	shalt  }
0x3e: {  	_ =	shalt  }
0x3f: {  	_ =	shalt  }
0x40: {  	_ =	shalt  }
0x41: {  	_ =	shalt  }
0x42: {  	_ =	shalt  }
0x43: {  	_ =	shalt  }
0x44: {  	_ =	shalt  }
0x45: {  	_ =	shalt  }
0x46: {  	_ =	shalt  }
0x47: {  	_ =	shalt  }
0x48: {  	_ =	shalt  }
0x49: {  	_ =	shalt  }
0x4a: {  	_ =	shalt  }
0x4b: {  	_ =	shalt  }
0x4c: {  	_ =	shalt  }
0x4d: {  	_ =	shalt  }
0x4e: {  	_ =	shalt  }
0x4f: {  	_ =	shalt  }
0x50: {  	_ =	shalt  }
0x51: {  	_ =	shalt  }
0x52: {  	_ =	shalt  }
0x53: {  	_ =	shalt  }
0x54: {  	_ =	shalt  }
0x55: {  	_ =	shalt  }
0x56: {  	_ =	shalt  }
0x57: {  	_ =	shalt  }
0x58: {  	_ =	shalt  }
0x59: {  	_ =	shalt  }
0x5a: {  	_ =	shalt  }
0x5b: {  	_ =	shalt  }
0x5c: {  	_ =	shalt  }
0x5d: {  	_ =	shalt  }
0x5e: {  	_ =	shalt  }
0x5f: {  	_ =	shalt  }
0x60: {  	_ =	shalt  }
0x61: {  	_ =	shalt  }
0x62: {  	_ =	shalt  }
0x63: {  	_ =	shalt  }
0x64: {  	_ =	shalt  }
0x65: {  	_ =	shalt  }
0x66: {  	_ =	shalt  }
0x67: {  	_ =	shalt  }
0x68: {  	_ =	shalt  }
0x69: {  	_ =	shalt  }
0x6a: {  	_ =	shalt  }
0x6b: {  	_ =	shalt  }
0x6c: {  	_ =	shalt  }
0x6d: {  	_ =	shalt  }
0x6e: {  	_ =	shalt  }
0x6f: {  	_ =	shalt  }
0x70: {  	_ =	shalt  }
0x71: {  	_ =	shalt  }
0x72: {  	_ =	shalt  }
0x73: {  	_ =	shalt  }
0x74: {  	_ =	shalt  }
0x75: {  	_ =	shalt  }
0x76: {  	_ =	shalt  }
0x77: {  	_ =	shalt  }
0x78: {  	_ =	shalt  }
0x79: {  	_ =	shalt  }
0x7a: {  	_ =	shalt  }
0x7b: {  	_ =	shalt  }
0x7c: {  	_ =	shalt  }
0x7d: {  	_ =	shalt  }
0x7e: {  	_ =	shalt  }
0x7f: {  	_ =	shalt  }
0x80: {  	_ =	shalt  }
0x81: {  	_ =	shalt  }
0x82: {  	_ =	shalt  }
0x83: {  	_ =	shalt  }
0x84: {  	_ =	shalt  }
0x85: {  	_ =	shalt  }
0x86: {  	_ =	shalt  }
0x87: {  	_ =	shalt  }
.Lfunc_end0:
.L_simem_size_0:
called_computation_lowered:
.L_overlay_start_0:
0x88: {  	s2 =	sld [smem:$0x3FD9]  }
0x89: {  	s3 =	sld [smem:$0x3FFE];
	_ =	sdelay $0x1  }
0x8a: {  	s1 =	srdreg.scid  }
0x8b: {  	s0 =	sand.u32 $0x1, s1  }
0x8c: {  	s17 =	sshll.u32 s0, $0xA;
	s2 =	sadd.s32 s3, s2  }
0x8d: {  	s2 =	sadd.s32 s2, s17  }
0x8e: {  	[smem:$0x3FC6] =	sst s2  }
0x8f: {  	_ = 	snop  }
0x90: {  	s2 =	sld [smem:$0x3FD0];
	(tm) =	ssettm $0x1  }
0x91: {  	s18 =	sld [smem:$0x3FFB];
	_ =	sdelay $0x3  }
0x92: {  	_ =	strace s18  }
0x93: {  	s3 =	sld [smem:$0x3FFC];
	_ =	sdelay $0x3  }
0x94: {  	_ =	strace s3  }
0x95: {  	s3 =	sld [smem:$0x3FFD];
	_ =	sdelay $0x3  }
0x96: {  	_ =	strace s3  }
0x97: {  	_ =	strace $0x8FFFFFFF  }
0x98: {  	s19 =	sld [smem:$0x3FDB];
	_ =	sdelay $0x1  }
0x99: {  	s4 =	simm.s32 $_scs_section_size  }
0x9a: {  	s5 =	simm.s32 $_size__tile_overlayer_lowered;
	s6 =	simm.s32 $_tile_overlayer_lowered  }
0x9b: {  	s22 =	simm.s32 $0x1BFF;
	s21 =	sshll.u32 s6, $0x1;
	s3 =	sadd.s32 s4, s19  }
0x9c: {  	s7 =	simm.s32 $0x0;
	s20 =	sshll.u32 s5, $0x1;
	s5 =	sadd.s32 s21, s3  }
0x9d: {  	[timem:s7], [sflag:s22] =	dma.local [hbm:s5], s20  }
0x9e: {  	_ =	swait.ge [sflag:s22], s20  }
0x9f: {  	s4 =	ssub.s32 $0x0, s20;
	[sflag:s22] =	ssyncset.done $0x0  }
0xa0: {  	[sflag:s22] =	ssyncadd.s32 s4;
	_ =	sdelay $0x1  }
0xa1: {  	s23 =	simm.s32 $0x1B8B  }
0xa2: {  	_ =	swait.ge [sflag:s23], $0x1  }
0xa3: {  	[sflag:s23] =	ssyncset.done $0x0  }
0xa4: {  	s25 =	simm.s32 $0x1B8E;
	s24 =	sld [smem:$0x3FFE];
	[sflag:s23] =	ssyncadd.s32 $0xFFFFFFFF  }
0xa5: {  	s26 =	simm.s32 $execute0_lowered;
	[smem:$0x3FD2] =	sst s25  }
0xa6: {  	s5 =	sshll.u32 s26, $0x1;
	_ =	strace $0x80000046;
	[dreg:$0x1] =	wrdreg $0xFFFFFFFF  }
0xa7: {  	s28 =	simm.s32 $_size_execute0_lowered;
	s3 =	sadd.s32 s3, s5;
	[dreg:$0x0] =	wrdreg $0x0  }
0xa8: {  	s5 =	sshll.u32 s28, $0x1;
	[dreg:$0x2] =	wrdreg s3  }
0xa9: {  	[dreg:$0x3] =	wrdreg s5  }
0xaa: {  	[dreg:$0x4] =	wrdreg $0xC0  }
0xab: {  	_ =	task [dreg:s7], $0x5FFFF  }
0xac: {  	[dreg:$0x1] =	wrdreg $0xFFFFFFFF  }
0xad: {  	[dreg:$0x0] =	wrdreg $0x60  }
0xae: {  	[dreg:$0x2] =	wrdreg s2  }
0xaf: {  	[dreg:$0x3] =	wrdreg s24  }
0xb0: {  	[dreg:$0x4] =	wrdreg $0x9  }
0xb1: {  	_ =	task.clear_ibuf [dreg:s7], $0x5FFFF;
	_ =	strace $0x90000046  }
0xb2: {  	s29 =	simm.s32 $0x9;
	_ =	strace $0x80000048  }
0xb3: {  	_ =	swait.ge [sflag:s29], $0x1  }
0xb4: {  	[sflag:s29] =	ssyncadd.s32 $0xFFFFFFFF  }
0xb5: {  	_ =	strace $0x90000048  }
0xb6: {  	_ =	sfence  }
0xb7: {  	s30 =	sld [smem:$0x0];
	_ =	sdelay $0x2  }
0xb8: {  	s31 =	sshll.u32 s1, $0xD;
	s1 =	sshrl.u32 s1, $0x2  }
0xb9: {  	s3 =	sand.u32 $0x4000, s31;
	s1 =	sadd.s32 s1, s30  }
0xba: {  	s0 =	sor.u32 s3, s0;
	s1 =	sshll.u32 s1, $0x11  }
0xbb: {  	s0 =	sor.u32 s1, s0  }
0xbc: {  	s0 =	sadd.s32 $0x8F2B, s0  }
0xbd: {  	[sflag:s0] =	ssyncadd.remote.s32 $0x1  }
0xbe: {  	_ =	sfence.sel $0xFFFF  }
0xbf: {  	[dreg:$0x0] =	wrdreg $0xFFFFFFFF;
	(pc) =	sbr.abs _section_cstart, $3  }
0xc0: {  	[dreg:$0x1] =	wrdreg $0xFFFFFFFF  }
0xc1: {  	_ =	task.clear_ibuf [dreg:s7], $0x2FFFF;
	_ =	strace $0x9FFFFFFF  }
0xc2: {  	(tm) =	ssettm $0x7FFFFFFF  }
0xc3: {  	_ =	shalt  }
tec
execute0_lowered:
.L_overlay_start_1:
0x0: {  	(tag) =	ssettag $0x1  }
0x1: {  	s2 =	rddreg [dreg:$0x0]  }
0x2: {  	s8 =	rddreg [dreg:$0x1]  }
0x3: {  	s0 =	rddreg [dreg:$0x2];
	s4 =	srdreg.scid  }
0x4: {  	s1 =	stileid.u32;
	s3 =	simm.s32 $0x0;
	s11 =	simm.s32 $0x18000  }
0x5: {  	s12 =	simm.s32 $0x5;
	s13 =	simm.s32 $0x18080;
	s14 =	simm.s32 $0x18100  }
0x6: {  	s15 =	simm.s32 $0x6000;
	s16 =	simm.s32 $0x1;
	s17 =	simm.s32 $0xC000  }
0x7: {  	s18 =	simm.s32 $0x2;
	s19 =	simm.s32 $0x4;
	s20 =	simm.s32 $0x12000  }
0x8: {  	s21 =	simm.s32 $0x3;
	s4 =	sand.u32 $0x1, s4;
	s5 =	sshll.u32 s1, $0x1  }
0x9: {  	s22 =	simm.s32 $0x0;
	[smem:$0x7FF] =	sst s3;
	s5 =	sor.u32 s4, s5  }
0xa: {  	s6 =	sadd.s32 $0x800, s8;
	s9 =	ssub.s32 $0x2, s4;
	s4 =	smul.u32 $0x60000, s5  }
0xb: {  	s7 =	sadd.s32 $0xA00, s8;
	_ =	strace $0x80000047;
	s10 =	sshrl.u32 s9, $0x1  }
0xc: {  	s5 =	sadd.s32 $0x600, s8;
	s10 =	ssub.s32 s9, s10;
	s31 =	sshrl.u32 s4, $0x3  }
0xd: {  	v0 =	vimm.s32 $0x0;
	s8 =	sadd.s32 $0xC00, s8;
	s10 =	smax.u32 s10, $0x1;
	s9 =	sadd.s32 s2, s31  }
.LBB2_1:
0xe: {  	[tilespmem:s11], [sflag:$0x5] =	stream.linear.gather [hbm4b:s5+s3], $0x80, $0x38;
	[tilespmem:$0x18180] =	vst v63  }
0xf: {  	_ =	swait.ge [sflag:s12], $0x80  }
0x10: {  	[sflag:s12] =	ssyncset.done $0x0  }
0x11: {  	[sflag:s12] =	ssyncadd.s32 $0xFFFFFF80  }
0x12: {  	[tilespmem:s13], [sflag:$0x5] =	stream.linear.gather [hbm4b:s6+s3], $0x80, $0x38;
	[tilespmem:$0x18180] =	vst v63  }
0x13: {  	_ =	swait.ge [sflag:s12], $0x80  }
0x14: {  	[sflag:s12] =	ssyncset.done $0x0  }
0x15: {  	[sflag:s12] =	ssyncadd.s32 $0xFFFFFF80  }
0x16: {  	[tilespmem:s14], [sflag:$0x5] =	stream.linear.gather [hbm4b:s7+s3], $0x80, $0x38;
	[tilespmem:$0x18180] =	vst v63  }
0x17: {  	_ =	swait.ge [sflag:s12], $0x80  }
0x18: {  	[sflag:s12] =	ssyncset.done $0x0  }
0x19: {  	s23 =	simm.s32 $0x0;
	[sflag:s12] =	ssyncadd.s32 $0xFFFFFF80  }
0x1a: {  	v1 =	vld [tilespmem:$0x18100];
	[tilespmem:s3], [sflag:$0x1] =	stream.linear.gather [hbm4b:s9+s3], $0x6000, $0x38  }
.LBB2_2:
0x1b: {  	s24 =	smul.u32 $0xC000, s23;
	_ =	sdelay $0x1  }
0x1c: {  	s24 =	sadd.s32 s4, s24  }
0x1d: {  	s25 =	sshrl.u32 s24, $0x3  }
0x1e: {  	s24 =	sadd.s32 $0xC00, s25  }
0x1f: {  	s26 =	sadd.s32 s2, s24  }
0x20: {  	[tilespmem:s15], [sflag:$0x2] =	stream.linear.gather [hbm4b:s26+s3], $0x6000, $0x38;
	[tilespmem:$0x18180] =	vst v63  }
0x21: {  	_ =	swait.ge [sflag:s16], $0x6000  }
0x22: {  	p0 =	seq.s32 s23, $0x0;
	[sflag:s16] =	ssyncset.done $0x0  }
0x23: {  	s26 =	simm.s32 @!p0 $0x3;
	[sflag:s16] =	ssyncadd.s32 $0xFFFFA000  }
0x24: {  	_ =	swait.ge @!p0 [sflag:s26], $0x6000  }
0x25: {  	[sflag:s26] =	ssyncset.done @!p0 $0x0  }
0x26: {  	s31 =	simm.s32 $0x40;
	[sflag:s26] =	ssyncadd.s32 @!p0 $0xFFFFA000  }
0x27: {  	v5 =	vld [tilespmem:s31+$0x30]  }
0x28: {  	v6 =	vld [tilespmem:s31+$0xFFFFFFD0]  }
0x29: {  	v7 =	vld [tilespmem:s31+$0xFFFFFFE0]  }
0x2a: {  	v8 =	vld [tilespmem:s31+$0xFFFFFFF0]  }
0x2b: {  	v4 =	vld [tilespmem:s31+$0x0]  }
0x2c: {  	v2 =	vld [tilespmem:s31+$0x10]  }
0x2d: {  	v3 =	vld [tilespmem:s31+$0x20]  }
0x2e: {  	v12 =	vld [tilespmem:s31+$0xFFFFFFC0];
	s31 =	simm.s32 $0xC0  }
0x2f: {  	v21 =	vld [tilespmem:s31+$0xFFFFFFD0]  }
0x30: {  	v18 =	vld [tilespmem:s31+$0xFFFFFFE0];
	v9 =	vmul.f32 v5, v1;
	v10 =	vmul.f32 v6, v1  }
0x31: {  	v20 =	vld [tilespmem:s31+$0x0];
	v11 =	vmul.f32 v7, v1;
	v13 =	vmul.f32 v8, v1  }
0x32: {  	v33 =	vld [tilespmem:s31+$0xFFFFFFC0];
	v14 =	vmul.f32 v4, v1;
	v15 =	vmul.f32 v2, v1  }
0x33: {  	v16 =	vmul.f32 v3, v1;
	v17 =	vmul.f32 v12, v1  }
0x34: {  	v30 =	vmul.f32 v21, v1;
	v9 =	vadd.f32 $3.200000000e+01, v9;
	v10 =	vadd.f32 $3.200000000e+01, v10  }
0x35: {  	v31 =	vmul.f32 v18, v1;
	v11 =	vadd.f32 $3.200000000e+01, v11;
	v13 =	vadd.f32 $3.200000000e+01, v13  }
0x36: {  	v36 =	vmul.f32 v20, v1;
	v14 =	vadd.f32 $3.200000000e+01, v14;
	v15 =	vadd.f32 $3.200000000e+01, v15  }
0x37: {  	v39 =	vmul.f32 v33, v1;
	v16 =	vadd.f32 $3.200000000e+01, v16;
	v17 =	vadd.f32 $3.200000000e+01, v17  }
0x38: {  	v30 =	vadd.f32 $3.200000000e+01, v30;
	v31 =	vadd.f32 $3.200000000e+01, v31  }
0x39: {  	v36 =	vadd.f32 $3.200000000e+01, v36;
	v39 =	vadd.f32 $3.200000000e+01, v39  }
0x3a: {  	v9 =	vmax.f32 v9, $0.0e+00;
	v10 =	vmax.f32 v10, $0.0e+00;
	v11 =	vmax.f32 v11, $0.0e+00  }
0x3b: {  	v13 =	vmax.f32 v13, $0.0e+00;
	v14 =	vmax.f32 v14, $0.0e+00;
	v15 =	vmax.f32 v15, $0.0e+00  }
0x3c: {  	v16 =	vmax.f32 v16, $0.0e+00;
	v17 =	vmax.f32 v17, $0.0e+00;
	v9 =	vmin.f32 v9, $6.300000000e+01  }
0x3d: {  	v10 =	vmin.f32 v10, $6.300000000e+01;
	v11 =	vmin.f32 v11, $6.300000000e+01;
	v13 =	vmin.f32 v13, $6.300000000e+01  }
0x3e: {  	v14 =	vmin.f32 v14, $6.300000000e+01;
	v17 =	vmin.f32 v17, $6.300000000e+01;
	v15 =	vmin.f32 v15, $6.300000000e+01  }
0x3f: {  	v16 =	vmin.f32 v16, $6.300000000e+01;
	v9 =	vtrunc.f32 v9;
	v10 =	vtrunc.f32 v10  }
0x40: {  	v30 =	vmax.f32 v30, $0.0e+00;
	v17 =	vtrunc.f32 v17;
	v11 =	vtrunc.f32 v11  }
0x41: {  	v31 =	vmax.f32 v31, $0.0e+00;
	v13 =	vtrunc.f32 v13;
	v9 =	vcvt.f32.s32 v9  }
0x42: {  	v36 =	vmax.f32 v36, $0.0e+00;
	v14 =	vtrunc.f32 v14;
	v10 =	vcvt.f32.s32 v10  }
0x43: {  	v39 =	vmax.f32 v39, $0.0e+00;
	v15 =	vtrunc.f32 v15;
	v23 =	vcvt.f32.s32 v17;
	v17 =	vld [tilespmem:s31+$0x20]  }
0x44: {  	v16 =	vtrunc.f32 v16;
	v30 =	vmin.f32 v30, $6.300000000e+01;
	v14 =	vcvt.f32.s32 v14  }
0x45: {  	v31 =	vmin.f32 v31, $6.300000000e+01;
	v11 =	vcvt.f32.s32 v11;
	v13 =	vcvt.f32.s32 v13  }
0x46: {  	v22 =	vld [tilespmem:s31+$0x30];
	v39 =	vmin.f32 v39, $6.300000000e+01;
	v15 =	vcvt.f32.s32 v15;
	v30 =	vtrunc.f32 v30  }
0x47: {  	v36 =	vmin.f32 v36, $6.300000000e+01;
	v39 =	vtrunc.f32 v39;
	v31 =	vtrunc.f32 v31;
	v19 =	vld.idx.msk [tilespmem:v9+s11+$0x0], $0xffff  }
0x48: {  	v56 =	vcvt.f32.s32 v39;
	v26 =	vshll.u32 v10, $0x1;
	v38 =	vmul.f32 v17, v1;
	v10 =	vld.idx.msk [tilespmem:v10+s11+$0x0], $0xffff  }
0x49: {  	v30 =	vcvt.f32.s32 v30;
	v31 =	vcvt.f32.s32 v31;
	v25 =	vshll.u32 v23, $0x1;
	v23 =	vld.idx.msk [tilespmem:v23+s11+$0x0], $0xffff  }
0x4a: {  	v27 =	vshll.u32 v11, $0x1;
	v29 =	vshll.u32 v14, $0x1;
	v14 =	vld.idx.msk [tilespmem:v14+s11+$0x0], $0xffff;
	v38 =	vadd.f32 $3.200000000e+01, v38  }
0x4b: {  	v28 =	vshll.u32 v13, $0x1;
	v32 =	vshll.u32 v15, $0x1;
	v9 =	vshll.u32 v9, $0x1;
	v11 =	vld.idx.msk [tilespmem:v11+s11+$0x0], $0xffff  }
0x4c: {  	v13 =	vld.idx.msk [tilespmem:v13+s11+$0x0], $0xffff;
	v38 =	vmax.f32 v38, $0.0e+00;
	vm0 =	vgt.f32 v5, v19;
	v5 =	vcvt.f32.s32 v16  }
0x4d: {  	v38 =	vmin.f32 v38, $6.300000000e+01;
	v19 =	vld [tilespmem:s31+$0xFFFFFFF0];
	vm1 =	vgt.f32 v6, v10;
	v16 =	vsel vm0, $0x1, v0  }
0x4e: {  	v10 =	vtrunc.f32 v38;
	v24 =	vor.u32 v16, v9;
	v9 =	vmul.f32 v22, v1  }
0x4f: {  	vm4 =	vgt.f32 v4, v14;
	vm0 =	vgt.f32 v12, v23;
	v23 =	vtrunc.f32 v36  }
0x50: {  	v14 =	vsel vm1, $0x1, v0;
	v16 =	vld [tilespmem:s31+$0x10];
	v23 =	vcvt.f32.s32 v23;
	s31 =	simm.s32 $0x140;
	v9 =	vadd.f32 $3.200000000e+01, v9  }
0x51: {  	vm2 =	vgt.f32 v7, v11;
	vm3 =	vgt.f32 v8, v13;
	v26 =	vor.u32 v14, v26;
	v14 =	vld [tilespmem:s31+$0x10]  }
0x52: {  	v35 =	vshll.u32 v5, $0x1;
	v34 =	vmul.f32 v19, v1;
	v9 =	vmax.f32 v9, $0.0e+00;
	v5 =	vld.idx.msk [tilespmem:v5+s11+$0x0], $0xffff  }
0x53: {  	v13 =	vshll.u32 v31, $0x1;
	v59 =	vsel vm3, $0x1, v0;
	v9 =	vmin.f32 v9, $6.300000000e+01  }
0x54: {  	v41 =	vsel vm4, $0x1, v0;
	v34 =	vadd.f32 $3.200000000e+01, v34;
	v9 =	vtrunc.f32 v9  }
0x55: {  	v28 =	vor.u32 v59, v28;
	v39 =	vld [tilespmem:s31+$0x30];
	v37 =	vmul.f32 v16, v1;
	v9 =	vcvt.f32.s32 v9  }
0x56: {  	v29 =	vor.u32 v41, v29;
	v45 =	vmul.f32 v14, v1;
	v53 =	vld.idx.msk [tilespmem:v23+s11+$0x0], $0xffff;
	v34 =	vmax.f32 v34, $0.0e+00  }
0x57: {  	v37 =	vadd.f32 $3.200000000e+01, v37;
	v34 =	vmin.f32 v34, $6.300000000e+01;
	vm6 =	vgt.f32 v3, v5;
	v3 =	vld [tilespmem:s31+$0xFFFFFFD0]  }
0x58: {  	v8 =	vshll.u32 v23, $0x1;
	v52 =	vadd.f32 $3.200000000e+01, v45;
	v12 =	vtrunc.f32 v34;
	v5 =	vld [tilespmem:s31+$0x0]  }
0x59: {  	v37 =	vmax.f32 v37, $0.0e+00;
	v34 =	vld.idx.msk [tilespmem:v56+s11+$0x0], $0xffff;
	v57 =	vcvt.f32.s32 v12;
	v12 =	vsel vm0, $0x1, v0  }
0x5a: {  	v37 =	vmin.f32 v37, $6.300000000e+01;
	v25 =	vor.u32 v12, v25;
	v12 =	vmul.f32 v39, v1  }
0x5b: {  	v43 =	vsel vm6, $0x1, v0;
	v6 =	vtrunc.f32 v37;
	v37 =	vcvt.f32.s32 v10;
	v40 =	vld.idx.msk [tilespmem:v9+s11+$0x0], $0xffff  }
0x5c: {  	v15 =	vld.idx.msk [tilespmem:v15+s11+$0x0], $0xffff;
	v10 =	vshll.u32 v56, $0x1;
	v35 =	vor.u32 v43, v35;
	v61 =	vadd.f32 $3.200000000e+01, v12  }
0x5d: {  	v31 =	vld.idx.msk [tilespmem:v31+s11+$0x0], $0xffff;
	vm4 =	vgt.f32 v20, v53;
	v44 =	vmul.f32 v3, v1;
	v49 =	vmul.f32 v5, v1  }
0x5e: {  	v11 =	vshll.u32 v57, $0x1;
	v12 =	vld [tilespmem:s31+$0xFFFFFFC0];
	vm0 =	vgt.f32 v33, v34;
	v41 =	vmax.f32 v61, $0.0e+00  }
0x5f: {  	v62 =	vadd.f32 $3.200000000e+01, v44;
	v41 =	vmin.f32 v41, $6.300000000e+01;
	v44 =	vadd.f32 $3.200000000e+01, v49;
	v36 =	vld.idx.msk [tilespmem:v57+s11+$0x0], $0xffff  }
0x60: {  	v59 =	vld.idx.msk [tilespmem:v25+s13+$0x0], $0xffff;
	v41 =	vtrunc.f32 v41;
	vm5 =	vgt.f32 v22, v40;
	v22 =	vcvt.f32.s32 v6  }
0x61: {  	v6 =	vshll.u32 v9, $0x1;
	v4 =	vsel vm5, $0x1, v0;
	vm5 =	vgt.f32 v2, v15;
	v2 =	vld [tilespmem:s31+$0xFFFFFFF0]  }
0x62: {  	v9 =	vshll.u32 v30, $0x1;
	v15 =	vsel vm2, $0x1, v0;
	v58 =	vor.u32 v4, v6;
	v4 =	vld [tilespmem:s31+$0xFFFFFFE0]  }
0x63: {  	v41 =	vcvt.f32.s32 v41;
	v54 =	vmax.f32 v44, $0.0e+00;
	v27 =	vor.u32 v15, v27;
	v15 =	vld [tilespmem:s31+$0x20]  }
0x64: {  	v30 =	vld.idx.msk [tilespmem:v30+s11+$0x0], $0xffff;
	v50 =	vmul.f32 v12, v1;
	v25 =	vmin.f32 v54, $6.300000000e+01;
	vm2 =	vgt.f32 v18, v31  }
0x65: {  	v47 =	vld.idx.msk [tilespmem:v28+s13+$0x0], $0xffff;
	v42 =	vsel vm5, $0x1, v0;
	v7 =	vshll.u32 v22, $0x1;
	v6 =	vshll.u32 v37, $0x1  }
0x66: {  	v28 =	vld.idx.msk [tilespmem:v29+s13+$0x0], $0xffff;
	v29 =	vshll.u32 v41, $0x1;
	v32 =	vor.u32 v42, v32;
	v42 =	vmax.f32 v62, $0.0e+00  }
0x67: {  	vm3 =	vgt.f32 v19, v36;
	v63 =	vmul.f32 v2, v1;
	v56 =	vld.idx.msk [tilespmem:v22+s11+$0x0], $0xffff;
	v22 =	vadd.f32 $3.200000000e+01, v50  }
0x68: {  	v24 =	vld.idx.msk [tilespmem:v24+s13+$0x0], $0xffff;
	v57 =	vmin.f32 v42, $6.300000000e+01;
	v60 =	vmul.f32 v4, v1;
	v46 =	vmul.f32 v15, v1  }
0x69: {  	vm1 =	vgt.f32 v21, v30;
	v30 =	vld.idx.msk [tilespmem:v41+s11+$0x0], $0xffff;
	v48 =	vadd.f32 $3.200000000e+01, v63;
	v22 =	vmax.f32 v22, $0.0e+00  }
0x6a: {  	v37 =	vld.idx.msk [tilespmem:v37+s11+$0x0], $0xffff;
	v63 =	vtrunc.f32 v25;
	v40 =	vadd.f32 $3.200000000e+01, v60;
	v55 =	vadd.f32 $3.200000000e+01, v46  }
0x6b: {  	v60 =	vld.idx.msk [tilespmem:v26+s13+$0x0], $0xffff;
	v22 =	vmin.f32 v22, $6.300000000e+01;
	v26 =	vtrunc.f32 v57;
	v23 =	vmax.f32 v48, $0.0e+00  }
0x6c: {  	v38 =	vld.idx.msk [tilespmem:v58+s13+$0x0], $0xffff;
	v21 =	vtrunc.f32 v22;
	v51 =	vmax.f32 v40, $0.0e+00;
	v40 =	vmax.f32 v52, $0.0e+00  }
0x6d: {  	s28 =	simm.s32 $0xC040;
	v62 =	vld.idx.msk [tilespmem:v27+s13+$0x0], $0xffff;
	v23 =	vmin.f32 v23, $6.300000000e+01;
	v58 =	vmax.f32 v55, $0.0e+00;
	v25 =	vcvt.f32.s32 v21  }
0x6e: {  	[tilespmem:s28+$0x30] =	vst v24;
	vm5 =	vgt.f32 v39, v30;
	vm6 =	vgt.f32 v16, v56;
	v34 =	vmin.f32 v51, $6.300000000e+01  }
0x6f: {  	[tilespmem:s28+$0xFFFFFFF0] =	vst v47;
	v40 =	vmin.f32 v40, $6.300000000e+01;
	v27 =	vtrunc.f32 v23;
	v23 =	vcvt.f32.s32 v26  }
0x70: {  	s26 =	simm.s32 $0xC0C0;
	[tilespmem:s28+$0xFFFFFFC0] =	vst v59;
	v61 =	vmin.f32 v58, $6.300000000e+01;
	v26 =	vld.idx.msk [tilespmem:v32+s13+$0x0], $0xffff;
	v22 =	vtrunc.f32 v34;
	v40 =	vtrunc.f32 v40  }
0x71: {  	[tilespmem:s26+$0x30] =	vst v38;
	v19 =	vsel vm5, $0x1, v0;
	v33 =	vtrunc.f32 v61;
	v21 =	vcvt.f32.s32 v27;
	v27 =	vld.idx.msk [tilespmem:v35+s13+$0x0], $0xffff  }
0x72: {  	[tilespmem:s28+$0xFFFFFFE0] =	vst v62;
	vm5 =	vgt.f32 v17, v37;
	v24 =	vcvt.f32.s32 v22;
	v22 =	vcvt.f32.s32 v63  }
0x73: {  	s29 =	simm.s32 $0x10;
	s30 =	simm.s32 $0x1C0;
	v29 =	vor.u32 v19, v29;
	[tilespmem:s28+$0xFFFFFFD0] =	vst v60;
	v20 =	vcvt.f32.s32 v40;
	v18 =	vcvt.f32.s32 v33  }
.LBB2_3:
0x74: {  	v19 =	vld [tilespmem:s30+$0x30];
	s29 =	sadd.s32 $0x8, s29;
	v30 =	vsel vm0, $0x1, v0;
	v31 =	vsel vm1, $0x1, v0;
	v32 =	vsel vm2, $0x1, v0;
	[tilespmem:s28+$0x0] =	vst v28;
	v16 =	vmovc v14;
	v17 =	vmovc v15  }
0x75: {  	v15 =	vsel vm3, $0x1, v0;
	v33 =	vsel vm4, $0x1, v0;
	v34 =	vsel vm6, $0x1, v0;
	v28 =	vld [tilespmem:s30+$0xFFFFFFD0];
	p1 =	slt.u32 s29, $0x5F8;
	[tilespmem:s28+$0x10] =	vst v26  }
0x76: {  	v14 =	vshll.u32 v25, $0x1;
	v35 =	vshll.u32 v23, $0x1;
	v36 =	vsel vm5, $0x1, v0;
	v26 =	vld [tilespmem:s30+$0xFFFFFFE0];
	[tilespmem:s28+$0x20] =	vst v27;
	s28 =	smov.u32 s26  }
0x77: {  	v37 =	vshll.u32 v24, $0x1;
	v38 =	vshll.u32 v21, $0x1;
	v39 =	vshll.u32 v22, $0x1;
	v27 =	vld [tilespmem:s30+$0xFFFFFFF0]  }
0x78: {  	v40 =	vshll.u32 v20, $0x1;
	v41 =	vshll.u32 v18, $0x1;
	v30 =	vor.u32 v30, v10;
	v10 =	vmovc v14;
	v29 =	vld.idx.msk [tilespmem:v29+s13+$0x0], $0xffff  }
0x79: {  	v31 =	vor.u32 v31, v9;
	v32 =	vor.u32 v32, v13;
	v9 =	vmovc v35;
	v42 =	vld [tilespmem:s30+$0x0];
	v43 =	vmul.f32 v19, v1  }
0x7a: {  	v44 =	vor.u32 v15, v11;
	v33 =	vor.u32 v33, v8;
	v13 =	vmovc v37;
	v35 =	vmul.f32 v28, v1;
	v14 =	vld [tilespmem:s30+$0x10]  }
0x7b: {  	v34 =	vor.u32 v34, v7;
	v11 =	vmovc v38;
	v8 =	vmovc v39;
	v37 =	vmul.f32 v26, v1;
	v15 =	vld [tilespmem:s30+$0x20];
	v43 =	vadd.f32 $3.200000000e+01, v43  }
0x7c: {  	v36 =	vor.u32 v36, v6;
	v7 =	vmovc v40;
	v6 =	vmovc v41;
	v38 =	vld [tilespmem:s30+$0xFFFFFFC0];
	v35 =	vadd.f32 $3.200000000e+01, v35;
	v39 =	vmul.f32 v27, v1  }
0x7d: {  	s26 =	sadd.s32 $0x80, s26;
	v37 =	vadd.f32 $3.200000000e+01, v37;
	v40 =	vmax.f32 v43, $0.0e+00;
	v25 =	vld.idx.msk [tilespmem:v25+s11+$0x0], $0xffff  }
0x7e: {  	v39 =	vadd.f32 $3.200000000e+01, v39;
	v41 =	vmul.f32 v42, v1;
	v40 =	vmin.f32 v40, $6.300000000e+01;
	v23 =	vld.idx.msk [tilespmem:v23+s11+$0x0], $0xffff;
	[tilespmem:s26+$0x30] =	vst v29  }
0x7f: {  	v29 =	vmax.f32 v35, $0.0e+00;
	v35 =	vmul.f32 v14, v1;
	v40 =	vtrunc.f32 v40;
	v24 =	vld.idx.msk [tilespmem:v24+s11+$0x0], $0xffff  }
0x80: {  	v41 =	vadd.f32 $3.200000000e+01, v41;
	v43 =	vmul.f32 v15, v1;
	v40 =	vcvt.f32.s32 v40;
	v21 =	vld.idx.msk [tilespmem:v21+s11+$0x0], $0xffff  }
0x81: {  	v37 =	vmax.f32 v37, $0.0e+00;
	v45 =	vmul.f32 v38, v1;
	v35 =	vadd.f32 $3.200000000e+01, v35;
	v22 =	vld.idx.msk [tilespmem:v22+s11+$0x0], $0xffff  }
0x82: {  	v39 =	vmax.f32 v39, $0.0e+00;
	v41 =	vmax.f32 v41, $0.0e+00;
	v43 =	vadd.f32 $3.200000000e+01, v43;
	v46 =	vld.idx.msk [tilespmem:v20+s11+$0x0], $0xffff  }
0x83: {  	v29 =	vmin.f32 v29, $6.300000000e+01;
	v20 =	vadd.f32 $3.200000000e+01, v45;
	v35 =	vmax.f32 v35, $0.0e+00;
	v45 =	vld.idx.msk [tilespmem:v18+s11+$0x0], $0xffff  }
0x84: {  	v18 =	vmin.f32 v37, $6.300000000e+01;
	v37 =	vmin.f32 v39, $6.300000000e+01;
	v39 =	vmax.f32 v43, $0.0e+00;
	v30 =	vld.idx.msk [tilespmem:v30+s13+$0x0], $0xffff  }
0x85: {  	v41 =	vmin.f32 v41, $6.300000000e+01;
	v35 =	vmin.f32 v35, $6.300000000e+01;
	v20 =	vmax.f32 v20, $0.0e+00;
	v31 =	vld.idx.msk [tilespmem:v31+s13+$0x0], $0xffff  }
0x86: {  	v29 =	vtrunc.f32 v29;
	v39 =	vmin.f32 v39, $6.300000000e+01;
	v20 =	vmin.f32 v20, $6.300000000e+01;
	v43 =	vld.idx.msk [tilespmem:v40+s11+$0x0], $0xffff  }
0x87: {  	vm0 =	vgt.f32 v12, v25;
	v12 =	vmovc v38;
	v18 =	vtrunc.f32 v18;
	v20 =	vtrunc.f32 v20;
	v32 =	vld.idx.msk [tilespmem:v32+s13+$0x0], $0xffff  }
0x88: {  	vm1 =	vgt.f32 v3, v23;
	v3 =	vmovc v28;
	v37 =	vtrunc.f32 v37;
	v38 =	vtrunc.f32 v41;
	v41 =	vld.idx.msk [tilespmem:v44+s13+$0x0], $0xffff  }
0x89: {  	vm2 =	vgt.f32 v4, v24;
	v4 =	vmovc v26;
	v35 =	vtrunc.f32 v35;
	v39 =	vtrunc.f32 v39;
	v28 =	vld.idx.msk [tilespmem:v33+s13+$0x0], $0xffff  }
.Ltmp0:
0x8a: {  	v23 =	vcvt.f32.s32 v29;
	vm3 =	vgt.f32 v2, v21;
	v2 =	vmovc v27;
	v25 =	vcvt.f32.s32 v20;
	[tilespmem:s28+$0xFFFFFFC0] =	vst v30;
	v26 =	vld.idx.msk [tilespmem:v34+s13+$0x0], $0xffff;
	(pc) =	sbr.rel @p1 .LBB2_3-.Ltmp0, $4  }
0x8b: {  	v24 =	vcvt.f32.s32 v18;
	v21 =	vcvt.f32.s32 v37;
	vm4 =	vgt.f32 v5, v22;
	v5 =	vmovc v42;
	[tilespmem:s28+$0xFFFFFFD0] =	vst v31;
	v27 =	vld.idx.msk [tilespmem:v36+s13+$0x0], $0xffff  }
0x8c: {  	v22 =	vcvt.f32.s32 v38;
	v20 =	vcvt.f32.s32 v35;
	vm5 =	vgt.f32 v19, v43  }
0x8d: {  	v29 =	vshll.u32 v40, $0x1;
	v18 =	vcvt.f32.s32 v39;
	v19 =	vsel vm5, $0x1, v0;
	[tilespmem:s28+$0xFFFFFFE0] =	vst v32  }
0x8e: {  	s30 =	sadd.s32 $0x80, s30;
	vm6 =	vgt.f32 v16, v46;
	vm5 =	vgt.f32 v17, v45;
	v29 =	vor.u32 v19, v29;
	[tilespmem:s28+$0xFFFFFFF0] =	vst v41  }
0x8f: {  	_ =	sdelay $0x3  }
0x90: {  	v16 =	vld.idx.msk [tilespmem:v29+s13+$0x0], $0xffff  }
0x91: {  	v17 =	vld.idx.msk [tilespmem:v25+s11+$0x0], $0xffff  }
0x92: {  	v19 =	vsel vm0, $0x1, v0;
	v42 =	vsel vm1, $0x1, v0;
	v30 =	vld.idx.msk [tilespmem:v23+s11+$0x0], $0xffff  }
0x93: {  	v31 =	vsel vm2, $0x1, v0;
	v32 =	vsel vm3, $0x1, v0;
	v43 =	vld.idx.msk [tilespmem:v24+s11+$0x0], $0xffff;
	v10 =	vor.u32 v19, v10  }
0x94: {  	v33 =	vsel vm4, $0x1, v0;
	v34 =	vsel vm6, $0x1, v0;
	v44 =	vld.idx.msk [tilespmem:v21+s11+$0x0], $0xffff;
	v9 =	vor.u32 v42, v9  }
0x95: {  	v45 =	vshll.u32 v25, $0x1;
	v46 =	vshll.u32 v23, $0x1;
	v47 =	vld.idx.msk [tilespmem:v22+s11+$0x0], $0xffff;
	v13 =	vor.u32 v31, v13  }
0x96: {  	v35 =	vsel vm5, $0x1, v0;
	v48 =	vshll.u32 v24, $0x1;
	v49 =	vld.idx.msk [tilespmem:v20+s11+$0x0], $0xffff;
	v11 =	vor.u32 v32, v11  }
0x97: {  	v50 =	vshll.u32 v21, $0x1;
	v51 =	vshll.u32 v22, $0x1;
	v52 =	vld.idx.msk [tilespmem:v18+s11+$0x0], $0xffff;
	v8 =	vor.u32 v33, v8  }
0x98: {  	v59 =	vshll.u32 v18, $0x1;
	v7 =	vor.u32 v34, v7;
	vm9 =	vgt.f32 v12, v17;
	v10 =	vld.idx.msk [tilespmem:v10+s13+$0x0], $0xffff  }
0x99: {  	[tilespmem:s28+$0x0] =	vst v28;
	v6 =	vor.u32 v35, v6;
	vm10 =	vgt.f32 v3, v30;
	v9 =	vld.idx.msk [tilespmem:v9+s13+$0x0], $0xffff;
	v3 =	vsel vm9, $0x1, v0  }
0x9a: {  	[tilespmem:s28+$0x10] =	vst v26;
	vm11 =	vgt.f32 v4, v43;
	v54 =	vld.idx.msk [tilespmem:v13+s13+$0x0], $0xffff;
	v55 =	vsel vm10, $0x1, v0;
	v3 =	vor.u32 v3, v45  }
0x9b: {  	s30 =	sadd.s32 $0x80, s26;
	[tilespmem:s28+$0x20] =	vst v27;
	vm12 =	vgt.f32 v2, v44;
	v11 =	vld.idx.msk [tilespmem:v11+s13+$0x0], $0xffff;
	v2 =	vsel vm11, $0x1, v0;
	v4 =	vor.u32 v55, v46  }
0x9c: {  	[tilespmem:s30+$0x30] =	vst v16;
	vm15 =	vgt.f32 v15, v52;
	v8 =	vld.idx.msk [tilespmem:v8+s13+$0x0], $0xffff;
	v56 =	vsel vm12, $0x1, v0;
	v2 =	vor.u32 v2, v48  }
0x9d: {  	vm13 =	vgt.f32 v5, v47;
	v7 =	vld.idx.msk [tilespmem:v7+s13+$0x0], $0xffff;
	v60 =	vsel vm15, $0x1, v0;
	v5 =	vor.u32 v56, v50;
	[tilespmem:s26+$0xFFFFFFC0] =	vst v10  }
0x9e: {  	vm14 =	vgt.f32 v14, v49;
	v57 =	vsel vm13, $0x1, v0;
	v6 =	vld.idx.msk [tilespmem:v6+s13+$0x0], $0xffff;
	v61 =	vor.u32 v60, v59;
	[tilespmem:s26+$0xFFFFFFD0] =	vst v9  }
0x9f: {  	v53 =	vshll.u32 v20, $0x1;
	v58 =	vsel vm14, $0x1, v0;
	v10 =	vor.u32 v57, v51;
	[tilespmem:s26+$0xFFFFFFE0] =	vst v54;
	v3 =	vld.idx.msk [tilespmem:v3+s13+$0x0], $0xffff  }
0xa0: {  	v9 =	vor.u32 v58, v53;
	[tilespmem:s26+$0xFFFFFFF0] =	vst v11;
	v4 =	vld.idx.msk [tilespmem:v4+s13+$0x0], $0xffff  }
0xa1: {  	[tilespmem:s26+$0x0] =	vst v8;
	v2 =	vld.idx.msk [tilespmem:v2+s13+$0x0], $0xffff  }
0xa2: {  	[tilespmem:s26+$0x10] =	vst v7;
	v5 =	vld.idx.msk [tilespmem:v5+s13+$0x0], $0xffff  }
0xa3: {  	[tilespmem:s26+$0x20] =	vst v6;
	v63 =	vld.idx.msk [tilespmem:v61+s13+$0x0], $0xffff  }
0xa4: {  	v62 =	vld.idx.msk [tilespmem:v10+s13+$0x0], $0xffff;
	[tilespmem:s30+$0xFFFFFFC0] =	vst v3  }
0xa5: {  	v3 =	vld.idx.msk [tilespmem:v9+s13+$0x0], $0xffff;
	[tilespmem:s30+$0xFFFFFFD0] =	vst v4  }
0xa6: {  	p1 =	sne.s32 s23, $0x7;
	[tilespmem:s30+$0xFFFFFFE0] =	vst v2  }
.Ltmp1:
0xa7: {  	[tilespmem:s30+$0xFFFFFFF0] =	vst v5;
	(pc) =	sbr.rel @p1 .LBB2_6-.Ltmp1, $4  }
0xa8: {  	[tilespmem:s30+$0x20] =	vst v63  }
0xa9: {  	[tilespmem:s30+$0x0] =	vst v62  }
0xaa: {  	s31 =	sadd.s32 s8, s25;
	[tilespmem:s30+$0x10] =	vst v3  }
0xab: {  	[hbm4b:s31+s3] =	stream.linear.scatter [tilespmem:s17], [sflag:$0x3], $0x6000, $0x38;
	[tilespmem:$0x18180] =	vst v63  }
.Ltmp2:
0xac: {  	(pc) =	sbr.rel .LBB2_7-.Ltmp2, $4  }
0xad: {  	_ = 	snop  }
0xae: {  	_ =	swait.ge [sflag:s18], $0x6000  }
0xaf: {  	[sflag:s18] =	ssyncset.done $0x0  }
0xb0: {  	[sflag:s18] =	ssyncadd.s32 $0xFFFFA000  }
.LBB2_6:
0xb1: {  	s25 =	sadd.s32 s2, s25  }
.Ltmp3:
0xb2: {  	s25 =	sadd.s32 $0x1800, s25;
	(pc) =	sbr.rel @p0 .LBB2_8-.Ltmp3, $4  }
0xb3: {  	[tilespmem:s3], [sflag:$0x1] =	stream.linear.gather [hbm4b:s25+s3], $0x6000, $0x38;
	[tilespmem:$0x18180] =	vst v63  }
0xb4: {  	_ =	swait.ge [sflag:s18], $0x6000  }
0xb5: {  	[sflag:s18] =	ssyncset.done $0x0  }
0xb6: {  	[sflag:s18] =	ssyncadd.s32 $0xFFFFA000  }
.LBB2_7:
0xb7: {  	_ =	swait.ge [sflag:s19], $0x6000  }
0xb8: {  	[sflag:s19] =	ssyncset.done $0x0  }
0xb9: {  	[sflag:s19] =	ssyncadd.s32 $0xFFFFA000  }
.LBB2_8:
0xba: {  	s25 =	simm.s32 $0x6040  }
0xbb: {  	v5 =	vld [tilespmem:s25+$0x30]  }
0xbc: {  	v6 =	vld [tilespmem:s25+$0xFFFFFFD0]  }
0xbd: {  	v7 =	vld [tilespmem:s25+$0xFFFFFFE0]  }
0xbe: {  	v8 =	vld [tilespmem:s25+$0xFFFFFFF0]  }
0xbf: {  	v4 =	vld [tilespmem:s25+$0x0]  }
0xc0: {  	v2 =	vld [tilespmem:s25+$0x10]  }
0xc1: {  	v3 =	vld [tilespmem:s25+$0x20]  }
0xc2: {  	s30 =	simm.s32 $0x60C0;
	v12 =	vld [tilespmem:s25+$0xFFFFFFC0]  }
0xc3: {  	v21 =	vld [tilespmem:s30+$0xFFFFFFD0]  }
0xc4: {  	v18 =	vld [tilespmem:s30+$0xFFFFFFE0];
	v9 =	vmul.f32 v5, v1;
	v10 =	vmul.f32 v6, v1  }
0xc5: {  	v20 =	vld [tilespmem:s30+$0x0];
	v11 =	vmul.f32 v7, v1;
	v13 =	vmul.f32 v8, v1  }
0xc6: {  	v33 =	vld [tilespmem:s30+$0xFFFFFFC0];
	v14 =	vmul.f32 v4, v1;
	v15 =	vmul.f32 v2, v1  }
0xc7: {  	v16 =	vmul.f32 v3, v1;
	v17 =	vmul.f32 v12, v1  }
0xc8: {  	v30 =	vmul.f32 v21, v1;
	v9 =	vadd.f32 $3.200000000e+01, v9;
	v10 =	vadd.f32 $3.200000000e+01, v10  }
0xc9: {  	v31 =	vmul.f32 v18, v1;
	v11 =	vadd.f32 $3.200000000e+01, v11;
	v13 =	vadd.f32 $3.200000000e+01, v13  }
0xca: {  	v36 =	vmul.f32 v20, v1;
	v14 =	vadd.f32 $3.200000000e+01, v14;
	v15 =	vadd.f32 $3.200000000e+01, v15  }
0xcb: {  	v39 =	vmul.f32 v33, v1;
	v16 =	vadd.f32 $3.200000000e+01, v16;
	v17 =	vadd.f32 $3.200000000e+01, v17  }
0xcc: {  	v30 =	vadd.f32 $3.200000000e+01, v30;
	v31 =	vadd.f32 $3.200000000e+01, v31  }
0xcd: {  	v36 =	vadd.f32 $3.200000000e+01, v36;
	v39 =	vadd.f32 $3.200000000e+01, v39  }
0xce: {  	v9 =	vmax.f32 v9, $0.0e+00;
	v10 =	vmax.f32 v10, $0.0e+00;
	v11 =	vmax.f32 v11, $0.0e+00  }
0xcf: {  	v13 =	vmax.f32 v13, $0.0e+00;
	v14 =	vmax.f32 v14, $0.0e+00;
	v15 =	vmax.f32 v15, $0.0e+00  }
0xd0: {  	v16 =	vmax.f32 v16, $0.0e+00;
	v17 =	vmax.f32 v17, $0.0e+00;
	v30 =	vmax.f32 v30, $0.0e+00  }
0xd1: {  	v31 =	vmax.f32 v31, $0.0e+00;
	v36 =	vmax.f32 v36, $0.0e+00;
	v39 =	vmax.f32 v39, $0.0e+00  }
0xd2: {  	v9 =	vmin.f32 v9, $6.300000000e+01;
	v10 =	vmin.f32 v10, $6.300000000e+01;
	v11 =	vmin.f32 v11, $6.300000000e+01  }
0xd3: {  	v17 =	vmin.f32 v17, $6.300000000e+01;
	v9 =	vtrunc.f32 v9;
	v10 =	vtrunc.f32 v10  }
0xd4: {  	v13 =	vmin.f32 v13, $6.300000000e+01;
	v17 =	vtrunc.f32 v17;
	v11 =	vtrunc.f32 v11  }
0xd5: {  	v14 =	vmin.f32 v14, $6.300000000e+01;
	v13 =	vtrunc.f32 v13;
	v9 =	vcvt.f32.s32 v9  }
0xd6: {  	v15 =	vmin.f32 v15, $6.300000000e+01;
	v14 =	vtrunc.f32 v14;
	v10 =	vcvt.f32.s32 v10  }
0xd7: {  	v16 =	vmin.f32 v16, $6.300000000e+01;
	v15 =	vtrunc.f32 v15;
	v23 =	vcvt.f32.s32 v17;
	v17 =	vld [tilespmem:s30+$0x20]  }
0xd8: {  	v30 =	vmin.f32 v30, $6.300000000e+01;
	v16 =	vtrunc.f32 v16;
	v14 =	vcvt.f32.s32 v14  }
0xd9: {  	v39 =	vmin.f32 v39, $6.300000000e+01;
	v30 =	vtrunc.f32 v30;
	v11 =	vcvt.f32.s32 v11  }
0xda: {  	v22 =	vld [tilespmem:s30+$0x30];
	v31 =	vmin.f32 v31, $6.300000000e+01;
	v39 =	vtrunc.f32 v39;
	v13 =	vcvt.f32.s32 v13  }
0xdb: {  	v36 =	vmin.f32 v36, $6.300000000e+01;
	v31 =	vtrunc.f32 v31;
	v15 =	vcvt.f32.s32 v15;
	v19 =	vld.idx.msk [tilespmem:v9+s11+$0x0], $0xffff  }
0xdc: {  	v56 =	vcvt.f32.s32 v39;
	v26 =	vshll.u32 v10, $0x1;
	v38 =	vmul.f32 v17, v1;
	v10 =	vld.idx.msk [tilespmem:v10+s11+$0x0], $0xffff  }
0xdd: {  	v30 =	vcvt.f32.s32 v30;
	v31 =	vcvt.f32.s32 v31;
	v25 =	vshll.u32 v23, $0x1;
	v23 =	vld.idx.msk [tilespmem:v23+s11+$0x0], $0xffff  }
0xde: {  	v27 =	vshll.u32 v11, $0x1;
	v29 =	vshll.u32 v14, $0x1;
	v14 =	vld.idx.msk [tilespmem:v14+s11+$0x0], $0xffff;
	v38 =	vadd.f32 $3.200000000e+01, v38  }
0xdf: {  	v28 =	vshll.u32 v13, $0x1;
	v32 =	vshll.u32 v15, $0x1;
	v9 =	vshll.u32 v9, $0x1;
	v11 =	vld.idx.msk [tilespmem:v11+s11+$0x0], $0xffff  }
0xe0: {  	v13 =	vld.idx.msk [tilespmem:v13+s11+$0x0], $0xffff;
	v38 =	vmax.f32 v38, $0.0e+00;
	vm0 =	vgt.f32 v5, v19;
	v5 =	vcvt.f32.s32 v16  }
0xe1: {  	v38 =	vmin.f32 v38, $6.300000000e+01;
	v19 =	vld [tilespmem:s30+$0xFFFFFFF0];
	vm1 =	vgt.f32 v6, v10;
	v16 =	vsel vm0, $0x1, v0  }
0xe2: {  	v10 =	vtrunc.f32 v38;
	v24 =	vor.u32 v16, v9;
	v9 =	vmul.f32 v22, v1  }
0xe3: {  	vm4 =	vgt.f32 v4, v14;
	vm0 =	vgt.f32 v12, v23;
	v23 =	vtrunc.f32 v36  }
0xe4: {  	s31 =	simm.s32 $0x6140;
	v14 =	vsel vm1, $0x1, v0;
	v16 =	vld [tilespmem:s30+$0x10];
	v23 =	vcvt.f32.s32 v23;
	v9 =	vadd.f32 $3.200000000e+01, v9  }
0xe5: {  	vm2 =	vgt.f32 v7, v11;
	vm3 =	vgt.f32 v8, v13;
	v26 =	vor.u32 v14, v26;
	v14 =	vld [tilespmem:s31+$0x10]  }
0xe6: {  	v35 =	vshll.u32 v5, $0x1;
	v34 =	vmul.f32 v19, v1;
	v9 =	vmax.f32 v9, $0.0e+00;
	v5 =	vld.idx.msk [tilespmem:v5+s11+$0x0], $0xffff  }
0xe7: {  	v13 =	vshll.u32 v31, $0x1;
	v59 =	vsel vm3, $0x1, v0;
	v9 =	vmin.f32 v9, $6.300000000e+01  }
0xe8: {  	v41 =	vsel vm4, $0x1, v0;
	v34 =	vadd.f32 $3.200000000e+01, v34;
	v9 =	vtrunc.f32 v9  }
0xe9: {  	v39 =	vld [tilespmem:s31+$0x30];
	v28 =	vor.u32 v59, v28;
	v37 =	vmul.f32 v16, v1;
	v9 =	vcvt.f32.s32 v9  }
0xea: {  	v29 =	vor.u32 v41, v29;
	v45 =	vmul.f32 v14, v1;
	v53 =	vld.idx.msk [tilespmem:v23+s11+$0x0], $0xffff;
	v34 =	vmax.f32 v34, $0.0e+00  }
0xeb: {  	v37 =	vadd.f32 $3.200000000e+01, v37;
	v34 =	vmin.f32 v34, $6.300000000e+01;
	vm6 =	vgt.f32 v3, v5;
	v3 =	vld [tilespmem:s31+$0xFFFFFFD0]  }
0xec: {  	v8 =	vshll.u32 v23, $0x1;
	v52 =	vadd.f32 $3.200000000e+01, v45;
	v12 =	vtrunc.f32 v34;
	v5 =	vld [tilespmem:s31+$0x0]  }
0xed: {  	v37 =	vmax.f32 v37, $0.0e+00;
	v34 =	vld.idx.msk [tilespmem:v56+s11+$0x0], $0xffff;
	v57 =	vcvt.f32.s32 v12;
	v12 =	vsel vm0, $0x1, v0  }
0xee: {  	v37 =	vmin.f32 v37, $6.300000000e+01;
	v25 =	vor.u32 v12, v25;
	v12 =	vmul.f32 v39, v1  }
0xef: {  	v43 =	vsel vm6, $0x1, v0;
	v6 =	vtrunc.f32 v37;
	v37 =	vcvt.f32.s32 v10;
	v40 =	vld.idx.msk [tilespmem:v9+s11+$0x0], $0xffff  }
0xf0: {  	v15 =	vld.idx.msk [tilespmem:v15+s11+$0x0], $0xffff;
	v10 =	vshll.u32 v56, $0x1;
	v35 =	vor.u32 v43, v35;
	v61 =	vadd.f32 $3.200000000e+01, v12  }
0xf1: {  	v31 =	vld.idx.msk [tilespmem:v31+s11+$0x0], $0xffff;
	vm4 =	vgt.f32 v20, v53;
	v44 =	vmul.f32 v3, v1;
	v49 =	vmul.f32 v5, v1  }
0xf2: {  	v11 =	vshll.u32 v57, $0x1;
	v12 =	vld [tilespmem:s31+$0xFFFFFFC0];
	vm0 =	vgt.f32 v33, v34;
	v41 =	vmax.f32 v61, $0.0e+00  }
0xf3: {  	v62 =	vadd.f32 $3.200000000e+01, v44;
	v41 =	vmin.f32 v41, $6.300000000e+01;
	v44 =	vadd.f32 $3.200000000e+01, v49;
	v36 =	vld.idx.msk [tilespmem:v57+s11+$0x0], $0xffff  }
0xf4: {  	v59 =	vld.idx.msk [tilespmem:v25+s13+$0x0], $0xffff;
	v41 =	vtrunc.f32 v41;
	vm5 =	vgt.f32 v22, v40;
	v22 =	vcvt.f32.s32 v6  }
0xf5: {  	v6 =	vshll.u32 v9, $0x1;
	v4 =	vsel vm5, $0x1, v0;
	vm5 =	vgt.f32 v2, v15;
	v2 =	vld [tilespmem:s31+$0xFFFFFFF0]  }
0xf6: {  	v9 =	vshll.u32 v30, $0x1;
	v15 =	vsel vm2, $0x1, v0;
	v58 =	vor.u32 v4, v6;
	v4 =	vld [tilespmem:s31+$0xFFFFFFE0]  }
0xf7: {  	v41 =	vcvt.f32.s32 v41;
	v54 =	vmax.f32 v44, $0.0e+00;
	v27 =	vor.u32 v15, v27;
	v15 =	vld [tilespmem:s31+$0x20]  }
0xf8: {  	v30 =	vld.idx.msk [tilespmem:v30+s11+$0x0], $0xffff;
	v50 =	vmul.f32 v12, v1;
	v25 =	vmin.f32 v54, $6.300000000e+01;
	vm2 =	vgt.f32 v18, v31  }
0xf9: {  	v47 =	vld.idx.msk [tilespmem:v28+s13+$0x0], $0xffff;
	v42 =	vsel vm5, $0x1, v0;
	v7 =	vshll.u32 v22, $0x1;
	v6 =	vshll.u32 v37, $0x1  }
0xfa: {  	v28 =	vld.idx.msk [tilespmem:v29+s13+$0x0], $0xffff;
	v29 =	vshll.u32 v41, $0x1;
	v32 =	vor.u32 v42, v32;
	v42 =	vmax.f32 v62, $0.0e+00  }
0xfb: {  	vm3 =	vgt.f32 v19, v36;
	v63 =	vmul.f32 v2, v1;
	v56 =	vld.idx.msk [tilespmem:v22+s11+$0x0], $0xffff;
	v22 =	vadd.f32 $3.200000000e+01, v50  }
0xfc: {  	v24 =	vld.idx.msk [tilespmem:v24+s13+$0x0], $0xffff;
	v57 =	vmin.f32 v42, $6.300000000e+01;
	v60 =	vmul.f32 v4, v1;
	v46 =	vmul.f32 v15, v1  }
0xfd: {  	vm1 =	vgt.f32 v21, v30;
	v30 =	vld.idx.msk [tilespmem:v41+s11+$0x0], $0xffff;
	v48 =	vadd.f32 $3.200000000e+01, v63;
	v22 =	vmax.f32 v22, $0.0e+00  }
0xfe: {  	v37 =	vld.idx.msk [tilespmem:v37+s11+$0x0], $0xffff;
	v63 =	vtrunc.f32 v25;
	v40 =	vadd.f32 $3.200000000e+01, v60;
	v55 =	vadd.f32 $3.200000000e+01, v46  }
0xff: {  	v60 =	vld.idx.msk [tilespmem:v26+s13+$0x0], $0xffff;
	v22 =	vmin.f32 v22, $6.300000000e+01;
	v26 =	vtrunc.f32 v57;
	v23 =	vmax.f32 v48, $0.0e+00  }
0x100: {  	v38 =	vld.idx.msk [tilespmem:v58+s13+$0x0], $0xffff;
	v21 =	vtrunc.f32 v22;
	v51 =	vmax.f32 v40, $0.0e+00;
	v40 =	vmax.f32 v52, $0.0e+00  }
0x101: {  	s26 =	simm.s32 $0x12040;
	v62 =	vld.idx.msk [tilespmem:v27+s13+$0x0], $0xffff;
	v23 =	vmin.f32 v23, $6.300000000e+01;
	v58 =	vmax.f32 v55, $0.0e+00;
	v25 =	vcvt.f32.s32 v21  }
0x102: {  	[tilespmem:s26+$0x30] =	vst v24;
	vm5 =	vgt.f32 v39, v30;
	vm6 =	vgt.f32 v16, v56;
	v34 =	vmin.f32 v51, $6.300000000e+01  }
0x103: {  	[tilespmem:s26+$0xFFFFFFF0] =	vst v47;
	v40 =	vmin.f32 v40, $6.300000000e+01;
	v27 =	vtrunc.f32 v23;
	v23 =	vcvt.f32.s32 v26  }
0x104: {  	s25 =	simm.s32 $0x120C0;
	[tilespmem:s26+$0xFFFFFFC0] =	vst v59;
	v61 =	vmin.f32 v58, $6.300000000e+01;
	v26 =	vld.idx.msk [tilespmem:v32+s13+$0x0], $0xffff;
	v22 =	vtrunc.f32 v34;
	v40 =	vtrunc.f32 v40  }
0x105: {  	[tilespmem:s25+$0x30] =	vst v38;
	v19 =	vsel vm5, $0x1, v0;
	v33 =	vtrunc.f32 v61;
	v21 =	vcvt.f32.s32 v27;
	v27 =	vld.idx.msk [tilespmem:v35+s13+$0x0], $0xffff  }
0x106: {  	[tilespmem:s26+$0xFFFFFFE0] =	vst v62;
	vm5 =	vgt.f32 v17, v37;
	v24 =	vcvt.f32.s32 v22;
	v22 =	vcvt.f32.s32 v63  }
0x107: {  	s28 =	simm.s32 $0x10;
	s29 =	simm.s32 $0x61C0;
	v29 =	vor.u32 v19, v29;
	[tilespmem:s26+$0xFFFFFFD0] =	vst v60;
	v20 =	vcvt.f32.s32 v40;
	v18 =	vcvt.f32.s32 v33  }
.LBB2_9:
0x108: {  	v19 =	vld [tilespmem:s29+$0x30];
	s28 =	sadd.s32 $0x8, s28;
	v30 =	vsel vm0, $0x1, v0;
	v31 =	vsel vm1, $0x1, v0;
	v32 =	vsel vm2, $0x1, v0;
	[tilespmem:s26+$0x0] =	vst v28;
	v16 =	vmovc v14;
	v17 =	vmovc v15  }
0x109: {  	v15 =	vsel vm3, $0x1, v0;
	v33 =	vsel vm4, $0x1, v0;
	v34 =	vsel vm6, $0x1, v0;
	v28 =	vld [tilespmem:s29+$0xFFFFFFD0];
	p0 =	slt.u32 s28, $0x5F8;
	[tilespmem:s26+$0x10] =	vst v26  }
0x10a: {  	v14 =	vshll.u32 v25, $0x1;
	v35 =	vshll.u32 v23, $0x1;
	v36 =	vsel vm5, $0x1, v0;
	v26 =	vld [tilespmem:s29+$0xFFFFFFE0];
	[tilespmem:s26+$0x20] =	vst v27;
	s26 =	smov.u32 s25  }
0x10b: {  	v37 =	vshll.u32 v24, $0x1;
	v38 =	vshll.u32 v21, $0x1;
	v39 =	vshll.u32 v22, $0x1;
	v27 =	vld [tilespmem:s29+$0xFFFFFFF0]  }
0x10c: {  	v40 =	vshll.u32 v20, $0x1;
	v41 =	vshll.u32 v18, $0x1;
	v30 =	vor.u32 v30, v10;
	v10 =	vmovc v14;
	v29 =	vld.idx.msk [tilespmem:v29+s13+$0x0], $0xffff  }
0x10d: {  	v31 =	vor.u32 v31, v9;
	v32 =	vor.u32 v32, v13;
	v9 =	vmovc v35;
	v42 =	vld [tilespmem:s29+$0x0];
	v43 =	vmul.f32 v19, v1  }
0x10e: {  	v44 =	vor.u32 v15, v11;
	v33 =	vor.u32 v33, v8;
	v13 =	vmovc v37;
	v35 =	vmul.f32 v28, v1;
	v14 =	vld [tilespmem:s29+$0x10]  }
0x10f: {  	v34 =	vor.u32 v34, v7;
	v11 =	vmovc v38;
	v8 =	vmovc v39;
	v37 =	vmul.f32 v26, v1;
	v15 =	vld [tilespmem:s29+$0x20];
	v43 =	vadd.f32 $3.200000000e+01, v43  }
0x110: {  	v36 =	vor.u32 v36, v6;
	v7 =	vmovc v40;
	v6 =	vmovc v41;
	v38 =	vld [tilespmem:s29+$0xFFFFFFC0];
	v35 =	vadd.f32 $3.200000000e+01, v35;
	v39 =	vmul.f32 v27, v1  }
0x111: {  	s25 =	sadd.s32 $0x80, s25;
	v37 =	vadd.f32 $3.200000000e+01, v37;
	v40 =	vmax.f32 v43, $0.0e+00;
	v25 =	vld.idx.msk [tilespmem:v25+s11+$0x0], $0xffff  }
0x112: {  	v39 =	vadd.f32 $3.200000000e+01, v39;
	v41 =	vmul.f32 v42, v1;
	v40 =	vmin.f32 v40, $6.300000000e+01;
	v23 =	vld.idx.msk [tilespmem:v23+s11+$0x0], $0xffff;
	[tilespmem:s25+$0x30] =	vst v29  }
0x113: {  	v29 =	vmax.f32 v35, $0.0e+00;
	v35 =	vmul.f32 v14, v1;
	v40 =	vtrunc.f32 v40;
	v24 =	vld.idx.msk [tilespmem:v24+s11+$0x0], $0xffff  }
0x114: {  	v41 =	vadd.f32 $3.200000000e+01, v41;
	v43 =	vmul.f32 v15, v1;
	v40 =	vcvt.f32.s32 v40;
	v21 =	vld.idx.msk [tilespmem:v21+s11+$0x0], $0xffff  }
0x115: {  	v37 =	vmax.f32 v37, $0.0e+00;
	v45 =	vmul.f32 v38, v1;
	v35 =	vadd.f32 $3.200000000e+01, v35;
	v22 =	vld.idx.msk [tilespmem:v22+s11+$0x0], $0xffff  }
0x116: {  	v39 =	vmax.f32 v39, $0.0e+00;
	v41 =	vmax.f32 v41, $0.0e+00;
	v43 =	vadd.f32 $3.200000000e+01, v43;
	v46 =	vld.idx.msk [tilespmem:v20+s11+$0x0], $0xffff  }
0x117: {  	v29 =	vmin.f32 v29, $6.300000000e+01;
	v20 =	vadd.f32 $3.200000000e+01, v45;
	v35 =	vmax.f32 v35, $0.0e+00;
	v45 =	vld.idx.msk [tilespmem:v18+s11+$0x0], $0xffff  }
0x118: {  	v18 =	vmin.f32 v37, $6.300000000e+01;
	v37 =	vmin.f32 v39, $6.300000000e+01;
	v39 =	vmax.f32 v43, $0.0e+00;
	v30 =	vld.idx.msk [tilespmem:v30+s13+$0x0], $0xffff  }
0x119: {  	v41 =	vmin.f32 v41, $6.300000000e+01;
	v35 =	vmin.f32 v35, $6.300000000e+01;
	v20 =	vmax.f32 v20, $0.0e+00;
	v31 =	vld.idx.msk [tilespmem:v31+s13+$0x0], $0xffff  }
0x11a: {  	v29 =	vtrunc.f32 v29;
	v39 =	vmin.f32 v39, $6.300000000e+01;
	v20 =	vmin.f32 v20, $6.300000000e+01;
	v43 =	vld.idx.msk [tilespmem:v40+s11+$0x0], $0xffff  }
0x11b: {  	vm0 =	vgt.f32 v12, v25;
	v12 =	vmovc v38;
	v18 =	vtrunc.f32 v18;
	v20 =	vtrunc.f32 v20;
	v32 =	vld.idx.msk [tilespmem:v32+s13+$0x0], $0xffff  }
0x11c: {  	vm1 =	vgt.f32 v3, v23;
	v3 =	vmovc v28;
	v37 =	vtrunc.f32 v37;
	v38 =	vtrunc.f32 v41;
	v41 =	vld.idx.msk [tilespmem:v44+s13+$0x0], $0xffff  }
0x11d: {  	vm2 =	vgt.f32 v4, v24;
	v4 =	vmovc v26;
	v35 =	vtrunc.f32 v35;
	v39 =	vtrunc.f32 v39;
	v28 =	vld.idx.msk [tilespmem:v33+s13+$0x0], $0xffff  }
.Ltmp4:
0x11e: {  	v23 =	vcvt.f32.s32 v29;
	vm3 =	vgt.f32 v2, v21;
	v2 =	vmovc v27;
	v25 =	vcvt.f32.s32 v20;
	[tilespmem:s26+$0xFFFFFFC0] =	vst v30;
	v26 =	vld.idx.msk [tilespmem:v34+s13+$0x0], $0xffff;
	(pc) =	sbr.rel @p0 .LBB2_9-.Ltmp4, $4  }
0x11f: {  	v24 =	vcvt.f32.s32 v18;
	v21 =	vcvt.f32.s32 v37;
	vm4 =	vgt.f32 v5, v22;
	v5 =	vmovc v42;
	[tilespmem:s26+$0xFFFFFFD0] =	vst v31;
	v27 =	vld.idx.msk [tilespmem:v36+s13+$0x0], $0xffff  }
0x120: {  	v22 =	vcvt.f32.s32 v38;
	v20 =	vcvt.f32.s32 v35;
	vm5 =	vgt.f32 v19, v43  }
0x121: {  	v29 =	vshll.u32 v40, $0x1;
	v18 =	vcvt.f32.s32 v39;
	v19 =	vsel vm5, $0x1, v0;
	[tilespmem:s26+$0xFFFFFFE0] =	vst v32  }
0x122: {  	s29 =	sadd.s32 $0x80, s29;
	vm6 =	vgt.f32 v16, v46;
	vm5 =	vgt.f32 v17, v45;
	v29 =	vor.u32 v19, v29;
	[tilespmem:s26+$0xFFFFFFF0] =	vst v41  }
0x123: {  	_ =	sdelay $0x3  }
0x124: {  	v16 =	vld.idx.msk [tilespmem:v29+s13+$0x0], $0xffff  }
0x125: {  	v17 =	vld.idx.msk [tilespmem:v25+s11+$0x0], $0xffff  }
0x126: {  	v19 =	vsel vm0, $0x1, v0;
	v42 =	vsel vm1, $0x1, v0;
	v30 =	vld.idx.msk [tilespmem:v23+s11+$0x0], $0xffff  }
0x127: {  	v31 =	vsel vm2, $0x1, v0;
	v32 =	vsel vm3, $0x1, v0;
	v43 =	vld.idx.msk [tilespmem:v24+s11+$0x0], $0xffff;
	v10 =	vor.u32 v19, v10  }
0x128: {  	v33 =	vsel vm4, $0x1, v0;
	v34 =	vsel vm6, $0x1, v0;
	v44 =	vld.idx.msk [tilespmem:v21+s11+$0x0], $0xffff;
	v9 =	vor.u32 v42, v9  }
0x129: {  	v45 =	vshll.u32 v25, $0x1;
	v46 =	vshll.u32 v23, $0x1;
	v47 =	vld.idx.msk [tilespmem:v22+s11+$0x0], $0xffff;
	v13 =	vor.u32 v31, v13  }
0x12a: {  	v35 =	vsel vm5, $0x1, v0;
	v48 =	vshll.u32 v24, $0x1;
	v49 =	vld.idx.msk [tilespmem:v20+s11+$0x0], $0xffff;
	v11 =	vor.u32 v32, v11  }
0x12b: {  	v50 =	vshll.u32 v21, $0x1;
	v51 =	vshll.u32 v22, $0x1;
	v52 =	vld.idx.msk [tilespmem:v18+s11+$0x0], $0xffff;
	v8 =	vor.u32 v33, v8  }
0x12c: {  	v59 =	vshll.u32 v18, $0x1;
	v7 =	vor.u32 v34, v7;
	vm9 =	vgt.f32 v12, v17;
	v10 =	vld.idx.msk [tilespmem:v10+s13+$0x0], $0xffff  }
0x12d: {  	[tilespmem:s26+$0x0] =	vst v28;
	v6 =	vor.u32 v35, v6;
	vm10 =	vgt.f32 v3, v30;
	v9 =	vld.idx.msk [tilespmem:v9+s13+$0x0], $0xffff;
	v3 =	vsel vm9, $0x1, v0  }
0x12e: {  	[tilespmem:s26+$0x10] =	vst v26;
	vm11 =	vgt.f32 v4, v43;
	v54 =	vld.idx.msk [tilespmem:v13+s13+$0x0], $0xffff;
	v55 =	vsel vm10, $0x1, v0;
	v3 =	vor.u32 v3, v45  }
0x12f: {  	s31 =	sadd.s32 $0x80, s25;
	[tilespmem:s26+$0x20] =	vst v27;
	vm12 =	vgt.f32 v2, v44;
	v11 =	vld.idx.msk [tilespmem:v11+s13+$0x0], $0xffff;
	v2 =	vsel vm11, $0x1, v0;
	v4 =	vor.u32 v55, v46  }
0x130: {  	[tilespmem:s31+$0x30] =	vst v16;
	vm15 =	vgt.f32 v15, v52;
	v8 =	vld.idx.msk [tilespmem:v8+s13+$0x0], $0xffff;
	v56 =	vsel vm12, $0x1, v0;
	v2 =	vor.u32 v2, v48  }
0x131: {  	vm13 =	vgt.f32 v5, v47;
	v7 =	vld.idx.msk [tilespmem:v7+s13+$0x0], $0xffff;
	v60 =	vsel vm15, $0x1, v0;
	v5 =	vor.u32 v56, v50;
	[tilespmem:s25+$0xFFFFFFC0] =	vst v10  }
0x132: {  	vm14 =	vgt.f32 v14, v49;
	v57 =	vsel vm13, $0x1, v0;
	v6 =	vld.idx.msk [tilespmem:v6+s13+$0x0], $0xffff;
	v61 =	vor.u32 v60, v59;
	[tilespmem:s25+$0xFFFFFFD0] =	vst v9  }
0x133: {  	v53 =	vshll.u32 v20, $0x1;
	v58 =	vsel vm14, $0x1, v0;
	v10 =	vor.u32 v57, v51;
	[tilespmem:s25+$0xFFFFFFE0] =	vst v54;
	v3 =	vld.idx.msk [tilespmem:v3+s13+$0x0], $0xffff  }
0x134: {  	v9 =	vor.u32 v58, v53;
	[tilespmem:s25+$0xFFFFFFF0] =	vst v11;
	v4 =	vld.idx.msk [tilespmem:v4+s13+$0x0], $0xffff  }
0x135: {  	[tilespmem:s25+$0x0] =	vst v8;
	v2 =	vld.idx.msk [tilespmem:v2+s13+$0x0], $0xffff  }
0x136: {  	[tilespmem:s25+$0x10] =	vst v7;
	v5 =	vld.idx.msk [tilespmem:v5+s13+$0x0], $0xffff  }
0x137: {  	[tilespmem:s25+$0x20] =	vst v6;
	v63 =	vld.idx.msk [tilespmem:v61+s13+$0x0], $0xffff  }
0x138: {  	v62 =	vld.idx.msk [tilespmem:v10+s13+$0x0], $0xffff;
	[tilespmem:s31+$0xFFFFFFC0] =	vst v3  }
0x139: {  	s23 =	sadd.s32 $0x1, s23;
	v3 =	vld.idx.msk [tilespmem:v9+s13+$0x0], $0xffff;
	[tilespmem:s31+$0xFFFFFFD0] =	vst v4  }
0x13a: {  	p0 =	sne.s32 s23, $0x8;
	[tilespmem:s31+$0xFFFFFFE0] =	vst v2  }
.Ltmp5:
0x13b: {  	[tilespmem:s31+$0xFFFFFFF0] =	vst v5;
	(pc) =	sbr.rel @p0 .LBB2_2-.Ltmp5, $4  }
0x13c: {  	[tilespmem:s31+$0x20] =	vst v63  }
0x13d: {  	[tilespmem:s31+$0x0] =	vst v62  }
0x13e: {  	s24 =	sadd.s32 s8, s24;
	[tilespmem:s31+$0x10] =	vst v3  }
0x13f: {  	[hbm4b:s24+s3] =	stream.linear.scatter [tilespmem:s20], [sflag:$0x4], $0x6000, $0x38;
	[tilespmem:$0x18180] =	vst v63  }
0x140: {  	s22 =	sadd.s32 $0x1, s22  }
0x141: {  	_ =	swait.ge [sflag:s21], $0x6000;
	p0 =	sne.s32 s22, s10  }
.Ltmp6:
0x142: {  	[sflag:s21] =	ssyncset.done $0x0;
	(pc) =	sbr.rel @p0 .LBB2_1-.Ltmp6, $4  }
0x143: {  	[sflag:s21] =	ssyncadd.s32 $0xFFFFA000  }
0x144: {  	_ =	swait.ge [sflag:s19], $0x6000  }
0x145: {  	[sflag:s19] =	ssyncset.done $0x0  }
0x146: {  	[sflag:s19] =	ssyncadd.s32 $0xFFFFA000  }
0x147: {  	_ =	sfence.sel $0x180000  }
0x148: {  	[bflag:$0x0] =	sbarrier.arrive $0xFFFF  }
0x149: {  	p0 =	sne.s32 s1, $0x0;
	_ =	strace $0x90000047  }
0x14a: {  	s0 =	sadd.s32 @!p0 $0x100000, s0;
	[bflag:$0x2] =	sbarrier.arrive $0xFFFF  }
0x14b: {  	[sflag:s0] =	ssyncadd.tile.s32 @!p0 $0x1;
	_ =	shalt  }
.Lfunc_end2:
_tile_overlayer_lowered:
.L_overlay_start_2:
0x14c: {  	(tag) =	ssettag $0x2  }
0x14d: {  	s0 =	rddreg [dreg:$0x0];
	s2 =	stileid.u32  }
0x14e: {  	s1 =	rddreg [dreg:$0x1];
	p0 =	sne.s32 s2, $0x0  }
0x14f: {  	s3 =	rddreg [dreg:$0x2];
	[bflag:$0x3] =	sbarrier.arrive $0xFFFF;
	s2 =	simm.s32 @!p0 $0x1C05  }
0x150: {  	[timem:s3], [sflag:s2] =	dma.local @!p0 [hbm:s0], s1  }
0x151: {  	s0 =	simm.s32 @!p0 $0x5  }
0x152: {  	_ =	swait.ge @!p0 [sflag:s0], s1  }
0x153: {  	s1 =	ssub.s32 @!p0 $0x0, s1;
	[sflag:s0] =	ssyncset.done @!p0 $0x0  }
0x154: {  	[sflag:s0] =	ssyncadd.s32 @!p0 s1  }
0x155: {  	[bflag:$0x3] =	sbarrier.arrive $0xFFFF  }
0x156: {  	_ =	shalt  }

</sc_bundles>
